<compile_context>
chip_gen: v7x
topology: tpu7x:2x2x1
jax: 0.10.2.dev20260603
libtpu: 0.0.44.dev20260713+nightly
codegen_flags: <defaults>
</compile_context>

<pallas_src>
import functools

import jax
import jax.numpy as jnp
from jax import lax
from jax.experimental import pallas as pl
from jax.experimental.pallas import tpu as pltpu
from jax.experimental.pallas import tpu_sc as plsc

N_RAYS = 131072
N_PTS = 64
N_OUT = 128
EPS = 1e-5
L = 16
NWORKERS = 32
CHUNK = 128
ROWS_PER_W = N_RAYS // NWORKERS
NCHUNKS = ROWS_PER_W // CHUNK


def _hw_sort(v):
    return lax.sort(v, dimension=0)


def _rev(v):
    return lax.rev(v, (0,))


def _bitonic(vs):
    if len(vs) == 1:
        return [_hw_sort(vs[0])]
    h = len(vs) // 2
    lo = [jnp.minimum(vs[i], vs[i + h]) for i in range(h)]
    hi = [jnp.maximum(vs[i], vs[i + h]) for i in range(h)]
    return _bitonic(lo) + _bitonic(hi)


def _merge(a, b):
    return _bitonic(a + [_rev(x) for x in reversed(b)])


def _sort128(vs):
    s = [_hw_sort(v) for v in vs]
    s32 = [_merge([s[0]], [s[1]]), _merge([s[2]], [s[3]]),
           _merge([s[4]], [s[5]]), _merge([s[6]], [s[7]])]
    s64 = [_merge(s32[0], s32[1]), _merge(s32[2], s32[3])]
    return _merge(s64[0], s64[1])


def _body(z_hbm, w_hbm, u_hbm, out_hbm, z_v, w_v, o_v, u_v, cdf_v, hist_v):
    wid = lax.axis_index("s") * 2 + lax.axis_index("c")

    pltpu.sync_copy(u_hbm, u_v)
    u_regs = [u_v[pl.ds(i * L, L)] for i in range(4)]
    iota = lax.iota(jnp.int32, L)
    mask_not_last = iota < (L - 1)
    ones_i = jnp.ones((L,), jnp.int32)
    zeros_i = jnp.zeros((L,), jnp.int32)

    def ray_body(r, carry):
        zr = [z_v[r, pl.ds(i * L, L)] for i in range(4)]
        br = [w_v[r, pl.ds(i * L, L)] + EPS for i in range(4)]

        cs = []
        pref = jnp.float32(0.0)
        for i in range(4):
            cs.append(plsc.cumsum(br[i]) + pref)
            pref = pref + jnp.sum(br[i])
        csum0 = br[0][0]
        b63 = br[3][L - 1]
        denom_total = pref - b63 - csum0
        rcp = jnp.float32(1.0) / jnp.full((L,), denom_total, jnp.float32)
        cdf = [(cs[i] - csum0) * rcp for i in range(4)]

        for i in range(4):
            cdf_v[pl.ds(i * L, L)] = cdf[i]
            hist_v[pl.ds(i * L, L)] = zeros_i

        for i in range(4):
            x = cdf[i] * jnp.float32(63.0)
            ti = x.astype(jnp.int32)
            m = ti + (ti.astype(jnp.float32) < x).astype(jnp.int32)
            m = jnp.minimum(m, 63)
            if i == 3:
                plsc.addupdate_scatter(hist_v, [m], ones_i, mask=mask_not_last)
            else:
                plsc.addupdate_scatter(hist_v, [m], ones_i)

        inds_regs = []
        ip = jnp.int32(0)
        for i in range(4):
            h = hist_v[pl.ds(i * L, L)]
            inds_regs.append(plsc.cumsum(h) + ip)
            ip = ip + jnp.sum(h)

        rsplat = jnp.full((L,), r, jnp.int32)
        samples = []
        for i in range(4):
            inds = inds_regs[i]
            below = inds - 1
            above = jnp.minimum(inds, 62)
            cg0 = plsc.load_gather(cdf_v, [below])
            cg1 = plsc.load_gather(cdf_v, [above])
            zb0 = plsc.load_gather(z_v, [rsplat, below])
            zb1 = plsc.load_gather(z_v, [rsplat, below + 1])
            za0 = plsc.load_gather(z_v, [rsplat, above])
            za1 = plsc.load_gather(z_v, [rsplat, above + 1])
            bg0 = jnp.float32(0.5) * (zb0 + zb1)
            bg1 = jnp.float32(0.5) * (za0 + za1)
            den = cg1 - cg0
            den = jnp.where(den < EPS, jnp.float32(1.0), den)
            t = (u_regs[i] - cg0) / den
            samples.append(bg0 + t * (bg1 - bg0))

        so = _sort128(zr + samples)
        for i in range(8):
            o_v[r, pl.ds(i * L, L)] = so[i]
        return carry

    def chunk_body(c, carry):
        base = wid * ROWS_PER_W + c * CHUNK
        pltpu.sync_copy(z_hbm.at[pl.ds(base, CHUNK)], z_v)
        pltpu.sync_copy(w_hbm.at[pl.ds(base, CHUNK)], w_v)
        lax.fori_loop(0, CHUNK, ray_body, 0, unroll=False)
        pltpu.sync_copy(o_v, out_hbm.at[pl.ds(base, CHUNK)])
        return carry

    lax.fori_loop(0, NCHUNKS, chunk_body, 0, unroll=False)


def kernel(lengths, ray_weights):
    u = jnp.linspace(0.0, 1.0, N_PTS, dtype=jnp.float32)
    mesh = plsc.VectorSubcoreMesh(core_axis_name="c", subcore_axis_name="s")
    run = pl.kernel(
        _body,
        mesh=mesh,
        out_type=jax.ShapeDtypeStruct((N_RAYS, N_OUT), jnp.float32),
        compiler_params=pltpu.CompilerParams(needs_layout_passes=False),
        scratch_types=[
            pltpu.VMEM((CHUNK, N_PTS), jnp.float32),
            pltpu.VMEM((CHUNK, N_PTS), jnp.float32),
            pltpu.VMEM((CHUNK, N_OUT), jnp.float32),
            pltpu.VMEM((N_PTS,), jnp.float32),
            pltpu.VMEM((N_PTS,), jnp.float32),
            pltpu.VMEM((N_PTS,), jnp.int32),
        ],
    )
    return run(lengths, ray_weights, u)

# --- scband reference (transcript-rebuilt; emitter-appended) ---
"""Pipeline reference for scband-ray-point-refiner-19816979104400 (READ-ONLY COPY).

The authoritative reference and input builder live on the scoring server;
editing this copy changes nothing except your own understanding.
"""

import jax, jax.numpy as jnp
import numpy as np

N_RAYS = 131072
N_PTS = 64
N_PTS_PER_RAY = 64
EPS = 1e-05


def setup_inputs(seed: int = 0) -> dict:
    key = jax.random.key(seed)
    k1, k2 = jax.random.split(key)
    lengths = jax.random.uniform(k1, (N_RAYS, N_PTS), dtype=jnp.float32)
    ray_weights = jax.random.uniform(k2, (N_RAYS, N_PTS), dtype=jnp.float32)
    return {"lengths": lengths, "ray_weights": ray_weights}


def sample_pdf(bins, weights, n_samples, eps):
    # bins: [B, n_bins], weights: [B, n_bins-1], deterministic (det=True) sampling
    weights = weights + eps
    pdf = weights / jnp.sum(weights, axis=-1, keepdims=True)
    cdf = jnp.cumsum(pdf, axis=-1)
    cdf = jnp.concatenate([jnp.zeros_like(cdf[..., :1]), cdf], axis=-1)  # [B, n_bins]
    u = jnp.linspace(0.0, 1.0, n_samples, dtype=bins.dtype)
    u = jnp.broadcast_to(u, cdf.shape[:-1] + (n_samples,))
    inds = jax.vmap(lambda c, uu: jnp.searchsorted(c, uu, side='right'))(cdf, u)
    n_bins = cdf.shape[-1]
    below = jnp.clip(inds - 1, 0, n_bins - 1)
    above = jnp.clip(inds, 0, n_bins - 1)
    cdf_g0 = jnp.take_along_axis(cdf, below, axis=-1)
    cdf_g1 = jnp.take_along_axis(cdf, above, axis=-1)
    bins_g0 = jnp.take_along_axis(bins, below, axis=-1)
    bins_g1 = jnp.take_along_axis(bins, above, axis=-1)
    denom = cdf_g1 - cdf_g0
    denom = jnp.where(denom < eps, jnp.ones_like(denom), denom)
    t = (u - cdf_g0) / denom
    return bins_g0 + t * (bins_g1 - bins_g0)


def reference(lengths, ray_weights):
    # bins is None path of RayPointRefiner.forward
    z_vals = lengths  # [N_RAYS, N_PTS]
    rw = ray_weights.reshape(-1, ray_weights.shape[-1])
    rw = rw[..., 1:-1]  # [B, N_PTS-2]
    # torch.lerp(z[...,1:], z[...,:-1], 0.5) == midpoints
    bins = z_vals[..., 1:] + 0.5 * (z_vals[..., :-1] - z_vals[..., 1:])  # [B, N_PTS-1]
    z_samples = sample_pdf(bins.reshape(-1, bins.shape[-1]), rw, N_PTS_PER_RAY, EPS)
    z_samples = z_samples.reshape(z_vals.shape[:-1] + (N_PTS_PER_RAY,))
    # forward computes samples under torch.no_grad()
    z_samples = jax.lax.stop_gradient(z_samples)
    # add_input_samples=True
    z_all = jnp.concatenate([z_vals, z_samples], axis=-1)
    z_all = jnp.sort(z_all, axis=-1)
    return z_all

if __name__ == "__main__":
    import jax
    _d = setup_inputs()
    print(jax.jit(kernel)(*tuple(_d.values())))

</pallas_src>

<mosaic_0001>
#map = affine_map<(d0, d1) -> (0, 0)>
#map1 = affine_map<(d0, d1) -> (0)>
module attributes {stable_mosaic.version = 14 : i64} {
  func.func @_body(%arg0: i32, %arg1: i32, %arg2: memref<131072x64xf32, #tpu.memory_space<hbm>>, %arg3: memref<131072x64xf32, #tpu.memory_space<hbm>>, %arg4: memref<64xf32, #tpu.memory_space<hbm>>, %arg5: memref<131072x128xf32, #tpu.memory_space<hbm>>, %arg6: memref<128x64xf32, #tpu.memory_space<vmem>>, %arg7: memref<128x64xf32, #tpu.memory_space<vmem>>, %arg8: memref<128x128xf32, #tpu.memory_space<vmem>>, %arg9: memref<64xf32, #tpu.memory_space<vmem>>, %arg10: memref<64xf32, #tpu.memory_space<vmem>>, %arg11: memref<64xi32, #tpu.memory_space<vmem>>) attributes {dimension_semantics = [#tpu.dimension_semantics<core_parallel>, #tpu.dimension_semantics<subcore_parallel>], iteration_bounds = array<i64: 2, 16>, scalar_prefetch = 0 : i64, scratch_operands = 6 : i64, tpu.core_type = #tpu.core_type<sc_vector_subcore>, window_params = [{transform_indices = #map}, {transform_indices = #map}, {transform_indices = #map1}, {transform_indices = #map}]} {
    %mul3A = arith.constant 2 : i32
    %mul3A_0 = arith.muli %arg1, %mul3A : i32
    %add3A = arith.addi %mul3A_0, %arg0 : i32
    "tpu.region"() ({
      %run_scoped3A = tpu.sem_alloc : memref<!tpu.dma_semaphore, #tpu.memory_space<semaphore_mem>>
      tpu.enqueue_dma source(%arg4 : memref<64xf32, #tpu.memory_space<hbm>>) target(%arg9 : memref<64xf32, #tpu.memory_space<vmem>>) target_semaphore(%run_scoped3A : memref<!tpu.dma_semaphore, #tpu.memory_space<semaphore_mem>>)
      tpu.wait_dma2 semaphore(%run_scoped3A : memref<!tpu.dma_semaphore, #tpu.memory_space<semaphore_mem>>) src(%arg4 : memref<64xf32, #tpu.memory_space<hbm>>) dst(%arg9 : memref<64xf32, #tpu.memory_space<vmem>>)
      tpu.yield
    }) : () -> ()
    %get3A = arith.constant 0 : index
    %get3A_1 = tpu.vector_load %arg9[%get3A] {strides = array<i32>} : memref<64xf32, #tpu.memory_space<vmem>>, vector<16xf32>,
    %get3A_2 = arith.constant 16 : index
    %get3A_3 = tpu.vector_load %arg9[%get3A_2] {strides = array<i32>} : memref<64xf32, #tpu.memory_space<vmem>>, vector<16xf32>,
    %get3A_4 = arith.constant 32 : index
    %get3A_5 = tpu.vector_load %arg9[%get3A_4] {strides = array<i32>} : memref<64xf32, #tpu.memory_space<vmem>>, vector<16xf32>,
    %get3A_6 = arith.constant 48 : index
    %get3A_7 = tpu.vector_load %arg9[%get3A_6] {strides = array<i32>} : memref<64xf32, #tpu.memory_space<vmem>>, vector<16xf32>,
    %iota3A = tpu.iota {dimensions = array<i32: 0>} : vector<16xi32>
    %lt3A = arith.constant 15 : i32
    %lt3A_8 = vector.broadcast %lt3A : i32 to vector<16xi32>
    %lt3A_9 = arith.cmpi slt, %iota3A, %lt3A_8 : vector<16xi32>
    %broadcast_in_dim3A = arith.constant 1 : i32
    %broadcast_in_dim3A_10 = vector.broadcast %broadcast_in_dim3A : i32 to vector<16xi32>
    %broadcast_in_dim3A_11 = arith.constant 0 : i32
    %broadcast_in_dim3A_12 = vector.broadcast %broadcast_in_dim3A_11 : i32 to vector<16xi32>
    %scan3A = arith.constant 0 : i32
    %scan3A_13 = arith.constant 0 : i32
    %scan3A_14 = arith.constant 32 : i32
    %scan3A_15 = arith.addi %scan3A_13, %scan3A_14 : i32
    %scan3A_16 = arith.constant 1 : i32
    scf.for %scan3A_18 = %scan3A_13 to %scan3A_15 step %scan3A_16  : i32 {
      %mul3A_19 = arith.constant 4096 : i32
      %mul3A_20 = arith.muli %add3A, %mul3A_19 : i32
      %mul3A_21 = arith.constant 128 : i32
      %mul3A_22 = arith.muli %scan3A_18, %mul3A_21 : i32
      %add3A_23 = arith.addi %mul3A_20, %mul3A_22 : i32
      "tpu.region"() ({
        %run_scoped3A = tpu.sem_alloc : memref<!tpu.dma_semaphore, #tpu.memory_space<semaphore_mem>>
        %dma_start3A = arith.constant 0 : i32
        %dma_start3A_30 = tpu.memref_slice %arg2[%add3A_23, %dma_start3A] : memref<131072x64xf32, #tpu.memory_space<hbm>> -> memref<128x64xf32, #tpu.memory_space<hbm>>
        %dma_start3A_31 = arith.constant 0 : i32
        %dma_start3A_32 = tpu.memref_slice %arg2[%add3A_23, %dma_start3A_31] : memref<131072x64xf32, #tpu.memory_space<hbm>> -> memref<128x64xf32, #tpu.memory_space<hbm>>
        tpu.enqueue_dma source(%dma_start3A_32 : memref<128x64xf32, #tpu.memory_space<hbm>>) target(%arg6 : memref<128x64xf32, #tpu.memory_space<vmem>>) target_semaphore(%run_scoped3A : memref<!tpu.dma_semaphore, #tpu.memory_space<semaphore_mem>>)
        %dma_wait3A = arith.constant 0 : i32
        %dma_wait3A_33 = tpu.memref_slice %arg2[%add3A_23, %dma_wait3A] : memref<131072x64xf32, #tpu.memory_space<hbm>> -> memref<128x64xf32, #tpu.memory_space<hbm>>
        %dma_wait3A_34 = arith.constant 0 : i32
        %dma_wait3A_35 = tpu.memref_slice %arg2[%add3A_23, %dma_wait3A_34] : memref<131072x64xf32, #tpu.memory_space<hbm>> -> memref<128x64xf32, #tpu.memory_space<hbm>>
        tpu.wait_dma2 semaphore(%run_scoped3A : memref<!tpu.dma_semaphore, #tpu.memory_space<semaphore_mem>>) src(%dma_wait3A_35 : memref<128x64xf32, #tpu.memory_space<hbm>>) dst(%arg6 : memref<128x64xf32, #tpu.memory_space<vmem>>)
        tpu.yield
      }) : () -> ()
      "tpu.region"() ({
        %run_scoped3A = tpu.sem_alloc : memref<!tpu.dma_semaphore, #tpu.memory_space<semaphore_mem>>
        %dma_start3A = arith.constant 0 : i32
        %dma_start3A_30 = tpu.memref_slice %arg3[%add3A_23, %dma_start3A] : memref<131072x64xf32, #tpu.memory_space<hbm>> -> memref<128x64xf32, #tpu.memory_space<hbm>>
        %dma_start3A_31 = arith.constant 0 : i32
        %dma_start3A_32 = tpu.memref_slice %arg3[%add3A_23, %dma_start3A_31] : memref<131072x64xf32, #tpu.memory_space<hbm>> -> memref<128x64xf32, #tpu.memory_space<hbm>>
        tpu.enqueue_dma source(%dma_start3A_32 : memref<128x64xf32, #tpu.memory_space<hbm>>) target(%arg7 : memref<128x64xf32, #tpu.memory_space<vmem>>) target_semaphore(%run_scoped3A : memref<!tpu.dma_semaphore, #tpu.memory_space<semaphore_mem>>)
        %dma_wait3A = arith.constant 0 : i32
        %dma_wait3A_33 = tpu.memref_slice %arg3[%add3A_23, %dma_wait3A] : memref<131072x64xf32, #tpu.memory_space<hbm>> -> memref<128x64xf32, #tpu.memory_space<hbm>>
        %dma_wait3A_34 = arith.constant 0 : i32
        %dma_wait3A_35 = tpu.memref_slice %arg3[%add3A_23, %dma_wait3A_34] : memref<131072x64xf32, #tpu.memory_space<hbm>> -> memref<128x64xf32, #tpu.memory_space<hbm>>
        tpu.wait_dma2 semaphore(%run_scoped3A : memref<!tpu.dma_semaphore, #tpu.memory_space<semaphore_mem>>) src(%dma_wait3A_35 : memref<128x64xf32, #tpu.memory_space<hbm>>) dst(%arg7 : memref<128x64xf32, #tpu.memory_space<vmem>>)
        tpu.yield
      }) : () -> ()
      %scan3A_24 = arith.constant 0 : i32
      %scan3A_25 = arith.constant 0 : i32
      %scan3A_26 = arith.constant 128 : i32
      %scan3A_27 = arith.addi %scan3A_25, %scan3A_26 : i32
      %scan3A_28 = arith.constant 1 : i32
      scf.for %scan3A_30 = %scan3A_25 to %scan3A_27 step %scan3A_28  : i32 {
        %get3A_31 = arith.index_cast %scan3A_30 : i32 to index
        %get3A_32 = arith.constant 0 : index
        %get3A_33 = tpu.vector_load %arg6[%get3A_31, %get3A_32] {strides = array<i32>} : memref<128x64xf32, #tpu.memory_space<vmem>>, vector<16xf32>,
        %get3A_34 = arith.index_cast %scan3A_30 : i32 to index
        %get3A_35 = arith.constant 16 : index
        %get3A_36 = tpu.vector_load %arg6[%get3A_34, %get3A_35] {strides = array<i32>} : memref<128x64xf32, #tpu.memory_space<vmem>>, vector<16xf32>,
        %get3A_37 = arith.index_cast %scan3A_30 : i32 to index
        %get3A_38 = arith.constant 32 : index
        %get3A_39 = tpu.vector_load %arg6[%get3A_37, %get3A_38] {strides = array<i32>} : memref<128x64xf32, #tpu.memory_space<vmem>>, vector<16xf32>,
        %get3A_40 = arith.index_cast %scan3A_30 : i32 to index
        %get3A_41 = arith.constant 48 : index
        %get3A_42 = tpu.vector_load %arg6[%get3A_40, %get3A_41] {strides = array<i32>} : memref<128x64xf32, #tpu.memory_space<vmem>>, vector<16xf32>,
        %get3A_43 = arith.index_cast %scan3A_30 : i32 to index
        %get3A_44 = arith.constant 0 : index
        %get3A_45 = tpu.vector_load %arg7[%get3A_43, %get3A_44] {strides = array<i32>} : memref<128x64xf32, #tpu.memory_space<vmem>>, vector<16xf32>,
        %add3A_46 = arith.constant 9.99999974E-6 : f32
        %add3A_47 = vector.broadcast %add3A_46 : f32 to vector<16xf32>
        %add3A_48 = arith.addf %get3A_45, %add3A_47 : vector<16xf32>
        %get3A_49 = arith.index_cast %scan3A_30 : i32 to index
        %get3A_50 = arith.constant 16 : index
        %get3A_51 = tpu.vector_load %arg7[%get3A_49, %get3A_50] {strides = array<i32>} : memref<128x64xf32, #tpu.memory_space<vmem>>, vector<16xf32>,
        %add3A_52 = arith.constant 9.99999974E-6 : f32
        %add3A_53 = vector.broadcast %add3A_52 : f32 to vector<16xf32>
        %add3A_54 = arith.addf %get3A_51, %add3A_53 : vector<16xf32>
        %get3A_55 = arith.index_cast %scan3A_30 : i32 to index
        %get3A_56 = arith.constant 32 : index
        %get3A_57 = tpu.vector_load %arg7[%get3A_55, %get3A_56] {strides = array<i32>} : memref<128x64xf32, #tpu.memory_space<vmem>>, vector<16xf32>,
        %add3A_58 = arith.constant 9.99999974E-6 : f32
        %add3A_59 = vector.broadcast %add3A_58 : f32 to vector<16xf32>
        %add3A_60 = arith.addf %get3A_57, %add3A_59 : vector<16xf32>
        %get3A_61 = arith.index_cast %scan3A_30 : i32 to index
        %get3A_62 = arith.constant 48 : index
        %get3A_63 = tpu.vector_load %arg7[%get3A_61, %get3A_62] {strides = array<i32>} : memref<128x64xf32, #tpu.memory_space<vmem>>, vector<16xf32>,
        %add3A_64 = arith.constant 9.99999974E-6 : f32
        %add3A_65 = vector.broadcast %add3A_64 : f32 to vector<16xf32>
        %add3A_66 = arith.addf %get3A_63, %add3A_65 : vector<16xf32>
        %broadcast_in_dim3A_67 = arith.constant true
        %broadcast_in_dim3A_68 = vector.broadcast %broadcast_in_dim3A_67 : i1 to vector<16xi1>
        %masked_cumsum3A = tpu.scan <sum>, %add3A_48 masked %broadcast_in_dim3A_68 : vector<16xf32>, vector<16xi1> -> vector<16xf32>
        %add3A_69 = arith.constant 0.000000e+00 : f32
        %add3A_70 = vector.broadcast %add3A_69 : f32 to vector<16xf32>
        %add3A_71 = arith.addf %masked_cumsum3A, %add3A_70 : vector<16xf32>
        %reduce_sum3A = arith.constant true
        %reduce_sum3A_72 = vector.broadcast %reduce_sum3A : i1 to vector<16xi1>
        %reduce_sum3A_73 = tpu.scan <sum>, %add3A_48 masked %reduce_sum3A_72 : vector<16xf32>, vector<16xi1> -> vector<16xf32>
        %reduce_sum3A_74 = vector.extract %reduce_sum3A_73[15] : f32 from vector<16xf32>
        %add3A_75 = arith.constant 0.000000e+00 : f32
        %add3A_76 = arith.addf %add3A_75, %reduce_sum3A_74 : f32
        %broadcast_in_dim3A_77 = arith.constant true
        %broadcast_in_dim3A_78 = vector.broadcast %broadcast_in_dim3A_77 : i1 to vector<16xi1>
        %masked_cumsum3A_79 = tpu.scan <sum>, %add3A_54 masked %broadcast_in_dim3A_78 : vector<16xf32>, vector<16xi1> -> vector<16xf32>
        %add3A_80 = vector.broadcast %add3A_76 : f32 to vector<16xf32>
        %add3A_81 = arith.addf %masked_cumsum3A_79, %add3A_80 : vector<16xf32>
        %reduce_sum3A_82 = arith.constant true
        %reduce_sum3A_83 = vector.broadcast %reduce_sum3A_82 : i1 to vector<16xi1>
        %reduce_sum3A_84 = tpu.scan <sum>, %add3A_54 masked %reduce_sum3A_83 : vector<16xf32>, vector<16xi1> -> vector<16xf32>
        %reduce_sum3A_85 = vector.extract %reduce_sum3A_84[15] : f32 from vector<16xf32>
        %add3A_86 = arith.addf %add3A_76, %reduce_sum3A_85 : f32
        %broadcast_in_dim3A_87 = arith.constant true
        %broadcast_in_dim3A_88 = vector.broadcast %broadcast_in_dim3A_87 : i1 to vector<16xi1>
        %masked_cumsum3A_89 = tpu.scan <sum>, %add3A_60 masked %broadcast_in_dim3A_88 : vector<16xf32>, vector<16xi1> -> vector<16xf32>
        %add3A_90 = vector.broadcast %add3A_86 : f32 to vector<16xf32>
        %add3A_91 = arith.addf %masked_cumsum3A_89, %add3A_90 : vector<16xf32>
        %reduce_sum3A_92 = arith.constant true
        %reduce_sum3A_93 = vector.broadcast %reduce_sum3A_92 : i1 to vector<16xi1>
        %reduce_sum3A_94 = tpu.scan <sum>, %add3A_60 masked %reduce_sum3A_93 : vector<16xf32>, vector<16xi1> -> vector<16xf32>
        %reduce_sum3A_95 = vector.extract %reduce_sum3A_94[15] : f32 from vector<16xf32>
        %add3A_96 = arith.addf %add3A_86, %reduce_sum3A_95 : f32
        %broadcast_in_dim3A_97 = arith.constant true
        %broadcast_in_dim3A_98 = vector.broadcast %broadcast_in_dim3A_97 : i1 to vector<16xi1>
        %masked_cumsum3A_99 = tpu.scan <sum>, %add3A_66 masked %broadcast_in_dim3A_98 : vector<16xf32>, vector<16xi1> -> vector<16xf32>
        %add3A_100 = vector.broadcast %add3A_96 : f32 to vector<16xf32>
        %add3A_101 = arith.addf %masked_cumsum3A_99, %add3A_100 : vector<16xf32>
        %reduce_sum3A_102 = arith.constant true
        %reduce_sum3A_103 = vector.broadcast %reduce_sum3A_102 : i1 to vector<16xi1>
        %reduce_sum3A_104 = tpu.scan <sum>, %add3A_66 masked %reduce_sum3A_103 : vector<16xf32>, vector<16xi1> -> vector<16xf32>
        %reduce_sum3A_105 = vector.extract %reduce_sum3A_104[15] : f32 from vector<16xf32>
        %add3A_106 = arith.addf %add3A_96, %reduce_sum3A_105 : f32
        %slice3A = vector.extract_strided_slice %add3A_48 {offsets = [0], sizes = [1], strides = [1]} : vector<16xf32> to vector<1xf32>
        %squeeze3A = vector.extract %slice3A[0] : f32 from vector<1xf32>
        %slice3A_107 = vector.extract_strided_slice %add3A_66 {offsets = [15], sizes = [1], strides = [1]} : vector<16xf32> to vector<1xf32>
        %squeeze3A_108 = vector.extract %slice3A_107[0] : f32 from vector<1xf32>
        %sub3A = arith.subf %add3A_106, %squeeze3A_108 : f32
        %sub3A_109 = arith.subf %sub3A, %squeeze3A : f32
        %broadcast_in_dim3A_110 = vector.broadcast %sub3A_109 : f32 to vector<16xf32>
        %div3A = arith.constant 1.000000e+00 : f32
        %div3A_111 = vector.broadcast %div3A : f32 to vector<16xf32>
        %div3A_112 = arith.divf %div3A_111, %broadcast_in_dim3A_110 : vector<16xf32>
        %sub3A_113 = vector.broadcast %squeeze3A : f32 to vector<16xf32>
        %sub3A_114 = arith.subf %add3A_71, %sub3A_113 : vector<16xf32>
        %mul3A_115 = arith.mulf %sub3A_114, %div3A_112 : vector<16xf32>
        %sub3A_116 = vector.broadcast %squeeze3A : f32 to vector<16xf32>
        %sub3A_117 = arith.subf %add3A_81, %sub3A_116 : vector<16xf32>
        %mul3A_118 = arith.mulf %sub3A_117, %div3A_112 : vector<16xf32>
        %sub3A_119 = vector.broadcast %squeeze3A : f32 to vector<16xf32>
        %sub3A_120 = arith.subf %add3A_91, %sub3A_119 : vector<16xf32>
        %mul3A_121 = arith.mulf %sub3A_120, %div3A_112 : vector<16xf32>
        %sub3A_122 = vector.broadcast %squeeze3A : f32 to vector<16xf32>
        %sub3A_123 = arith.subf %add3A_101, %sub3A_122 : vector<16xf32>
        %mul3A_124 = arith.mulf %sub3A_123, %div3A_112 : vector<16xf32>
        %swap3A = arith.constant 0 : index
        %swap3A_125 = tpu.vector_load %arg10[%swap3A] {strides = array<i32>} : memref<64xf32, #tpu.memory_space<vmem>>, vector<16xf32>,
        tpu.vector_store %arg10[%swap3A], %mul3A_115 {strides = array<i32>} : memref<64xf32, #tpu.memory_space<vmem>>, vector<16xf32>,
        %swap3A_126 = arith.constant 0 : index
        %swap3A_127 = tpu.vector_load %arg11[%swap3A_126] {strides = array<i32>} : memref<64xi32, #tpu.memory_space<vmem>>, vector<16xi32>,
        tpu.vector_store %arg11[%swap3A_126], %broadcast_in_dim3A_12 {strides = array<i32>} : memref<64xi32, #tpu.memory_space<vmem>>, vector<16xi32>,
        %swap3A_128 = arith.constant 16 : index
        %swap3A_129 = tpu.vector_load %arg10[%swap3A_128] {strides = array<i32>} : memref<64xf32, #tpu.memory_space<vmem>>, vector<16xf32>,
        tpu.vector_store %arg10[%swap3A_128], %mul3A_118 {strides = array<i32>} : memref<64xf32, #tpu.memory_space<vmem>>, vector<16xf32>,
        %swap3A_130 = arith.constant 16 : index
        %swap3A_131 = tpu.vector_load %arg11[%swap3A_130] {strides = array<i32>} : memref<64xi32, #tpu.memory_space<vmem>>, vector<16xi32>,
        tpu.vector_store %arg11[%swap3A_130], %broadcast_in_dim3A_12 {strides = array<i32>} : memref<64xi32, #tpu.memory_space<vmem>>, vector<16xi32>,
        %swap3A_132 = arith.constant 32 : index
        %swap3A_133 = tpu.vector_load %arg10[%swap3A_132] {strides = array<i32>} : memref<64xf32, #tpu.memory_space<vmem>>, vector<16xf32>,
        tpu.vector_store %arg10[%swap3A_132], %mul3A_121 {strides = array<i32>} : memref<64xf32, #tpu.memory_space<vmem>>, vector<16xf32>,
        %swap3A_134 = arith.constant 32 : index
        %swap3A_135 = tpu.vector_load %arg11[%swap3A_134] {strides = array<i32>} : memref<64xi32, #tpu.memory_space<vmem>>, vector<16xi32>,
        tpu.vector_store %arg11[%swap3A_134], %broadcast_in_dim3A_12 {strides = array<i32>} : memref<64xi32, #tpu.memory_space<vmem>>, vector<16xi32>,
        %swap3A_136 = arith.constant 48 : index
        %swap3A_137 = tpu.vector_load %arg10[%swap3A_136] {strides = array<i32>} : memref<64xf32, #tpu.memory_space<vmem>>, vector<16xf32>,
        tpu.vector_store %arg10[%swap3A_136], %mul3A_124 {strides = array<i32>} : memref<64xf32, #tpu.memory_space<vmem>>, vector<16xf32>,
        %swap3A_138 = arith.constant 48 : index
        %swap3A_139 = tpu.vector_load %arg11[%swap3A_138] {strides = array<i32>} : memref<64xi32, #tpu.memory_space<vmem>>, vector<16xi32>,
        tpu.vector_store %arg11[%swap3A_138], %broadcast_in_dim3A_12 {strides = array<i32>} : memref<64xi32, #tpu.memory_space<vmem>>, vector<16xi32>,
        %mul3A_140 = arith.constant 6.300000e+01 : f32
        %mul3A_141 = vector.broadcast %mul3A_140 : f32 to vector<16xf32>
        %mul3A_142 = arith.mulf %mul3A_115, %mul3A_141 : vector<16xf32>
        %convert_element_type3A = arith.fptosi %mul3A_142 : vector<16xf32> to vector<16xi32>
        %convert_element_type3A_143 = arith.sitofp %convert_element_type3A : vector<16xi32> to vector<16xf32>
        %lt3A_144 = arith.cmpf olt, %convert_element_type3A_143, %mul3A_142 : vector<16xf32>
        %convert_element_type3A_145 = arith.extui %lt3A_144 : vector<16xi1> to vector<16xi32>
        %add3A_146 = arith.addi %convert_element_type3A, %convert_element_type3A_145 : vector<16xi32>
        %min3A = arith.constant 63 : i32
        %min3A_147 = vector.broadcast %min3A : i32 to vector<16xi32>
        %min3A_148 = arith.minsi %add3A_146, %min3A_147 : vector<16xi32>
        tpu.vector_store_idx %arg11[%min3A_148], %broadcast_in_dim3A_10 {add = true} : memref<64xi32, #tpu.memory_space<vmem>>[vector<16xi32>], vector<16xi32>,
        %mul3A_149 = arith.constant 6.300000e+01 : f32
        %mul3A_150 = vector.broadcast %mul3A_149 : f32 to vector<16xf32>
        %mul3A_151 = arith.mulf %mul3A_118, %mul3A_150 : vector<16xf32>
        %convert_element_type3A_152 = arith.fptosi %mul3A_151 : vector<16xf32> to vector<16xi32>
        %convert_element_type3A_153 = arith.sitofp %convert_element_type3A_152 : vector<16xi32> to vector<16xf32>
        %lt3A_154 = arith.cmpf olt, %convert_element_type3A_153, %mul3A_151 : vector<16xf32>
        %convert_element_type3A_155 = arith.extui %lt3A_154 : vector<16xi1> to vector<16xi32>
        %add3A_156 = arith.addi %convert_element_type3A_152, %convert_element_type3A_155 : vector<16xi32>
        %min3A_157 = arith.constant 63 : i32
        %min3A_158 = vector.broadcast %min3A_157 : i32 to vector<16xi32>
        %min3A_159 = arith.minsi %add3A_156, %min3A_158 : vector<16xi32>
        tpu.vector_store_idx %arg11[%min3A_159], %broadcast_in_dim3A_10 {add = true} : memref<64xi32, #tpu.memory_space<vmem>>[vector<16xi32>], vector<16xi32>,
        %mul3A_160 = arith.constant 6.300000e+01 : f32
        %mul3A_161 = vector.broadcast %mul3A_160 : f32 to vector<16xf32>
        %mul3A_162 = arith.mulf %mul3A_121, %mul3A_161 : vector<16xf32>
        %convert_element_type3A_163 = arith.fptosi %mul3A_162 : vector<16xf32> to vector<16xi32>
        %convert_element_type3A_164 = arith.sitofp %convert_element_type3A_163 : vector<16xi32> to vector<16xf32>
        %lt3A_165 = arith.cmpf olt, %convert_element_type3A_164, %mul3A_162 : vector<16xf32>
        %convert_element_type3A_166 = arith.extui %lt3A_165 : vector<16xi1> to vector<16xi32>
        %add3A_167 = arith.addi %convert_element_type3A_163, %convert_element_type3A_166 : vector<16xi32>
        %min3A_168 = arith.constant 63 : i32
        %min3A_169 = vector.broadcast %min3A_168 : i32 to vector<16xi32>
        %min3A_170 = arith.minsi %add3A_167, %min3A_169 : vector<16xi32>
        tpu.vector_store_idx %arg11[%min3A_170], %broadcast_in_dim3A_10 {add = true} : memref<64xi32, #tpu.memory_space<vmem>>[vector<16xi32>], vector<16xi32>,
        %mul3A_171 = arith.constant 6.300000e+01 : f32
        %mul3A_172 = vector.broadcast %mul3A_171 : f32 to vector<16xf32>
        %mul3A_173 = arith.mulf %mul3A_124, %mul3A_172 : vector<16xf32>
        %convert_element_type3A_174 = arith.fptosi %mul3A_173 : vector<16xf32> to vector<16xi32>
        %convert_element_type3A_175 = arith.sitofp %convert_element_type3A_174 : vector<16xi32> to vector<16xf32>
        %lt3A_176 = arith.cmpf olt, %convert_element_type3A_175, %mul3A_173 : vector<16xf32>
        %convert_element_type3A_177 = arith.extui %lt3A_176 : vector<16xi1> to vector<16xi32>
        %add3A_178 = arith.addi %convert_element_type3A_174, %convert_element_type3A_177 : vector<16xi32>
        %min3A_179 = arith.constant 63 : i32
        %min3A_180 = vector.broadcast %min3A_179 : i32 to vector<16xi32>
        %min3A_181 = arith.minsi %add3A_178, %min3A_180 : vector<16xi32>
        tpu.vector_store_idx %arg11[%min3A_181], %broadcast_in_dim3A_10 masked %lt3A_9 {add = true} : memref<64xi32, #tpu.memory_space<vmem>>[vector<16xi32>], vector<16xi32>, vector<16xi1>
        %get3A_182 = arith.constant 0 : index
        %get3A_183 = tpu.vector_load %arg11[%get3A_182] {strides = array<i32>} : memref<64xi32, #tpu.memory_space<vmem>>, vector<16xi32>,
        %broadcast_in_dim3A_184 = arith.constant true
        %broadcast_in_dim3A_185 = vector.broadcast %broadcast_in_dim3A_184 : i1 to vector<16xi1>
        %masked_cumsum3A_186 = tpu.scan <sum>, %get3A_183 masked %broadcast_in_dim3A_185 : vector<16xi32>, vector<16xi1> -> vector<16xi32>
        %add3A_187 = arith.constant 0 : i32
        %add3A_188 = vector.broadcast %add3A_187 : i32 to vector<16xi32>
        %add3A_189 = arith.addi %masked_cumsum3A_186, %add3A_188 : vector<16xi32>
        %reduce_sum3A_190 = arith.constant true
        %reduce_sum3A_191 = vector.broadcast %reduce_sum3A_190 : i1 to vector<16xi1>
        %reduce_sum3A_192 = tpu.scan <sum>, %get3A_183 masked %reduce_sum3A_191 : vector<16xi32>, vector<16xi1> -> vector<16xi32>
        %reduce_sum3A_193 = vector.extract %reduce_sum3A_192[15] : i32 from vector<16xi32>
        %add3A_194 = arith.constant 0 : i32
        %add3A_195 = arith.addi %add3A_194, %reduce_sum3A_193 : i32
        %get3A_196 = arith.constant 16 : index
        %get3A_197 = tpu.vector_load %arg11[%get3A_196] {strides = array<i32>} : memref<64xi32, #tpu.memory_space<vmem>>, vector<16xi32>,
        %broadcast_in_dim3A_198 = arith.constant true
        %broadcast_in_dim3A_199 = vector.broadcast %broadcast_in_dim3A_198 : i1 to vector<16xi1>
        %masked_cumsum3A_200 = tpu.scan <sum>, %get3A_197 masked %broadcast_in_dim3A_199 : vector<16xi32>, vector<16xi1> -> vector<16xi32>
        %add3A_201 = vector.broadcast %add3A_195 : i32 to vector<16xi32>
        %add3A_202 = arith.addi %masked_cumsum3A_200, %add3A_201 : vector<16xi32>
        %reduce_sum3A_203 = arith.constant true
        %reduce_sum3A_204 = vector.broadcast %reduce_sum3A_203 : i1 to vector<16xi1>
        %reduce_sum3A_205 = tpu.scan <sum>, %get3A_197 masked %reduce_sum3A_204 : vector<16xi32>, vector<16xi1> -> vector<16xi32>
        %reduce_sum3A_206 = vector.extract %reduce_sum3A_205[15] : i32 from vector<16xi32>
        %add3A_207 = arith.addi %add3A_195, %reduce_sum3A_206 : i32
        %get3A_208 = arith.constant 32 : index
        %get3A_209 = tpu.vector_load %arg11[%get3A_208] {strides = array<i32>} : memref<64xi32, #tpu.memory_space<vmem>>, vector<16xi32>,
        %broadcast_in_dim3A_210 = arith.constant true
        %broadcast_in_dim3A_211 = vector.broadcast %broadcast_in_dim3A_210 : i1 to vector<16xi1>
        %masked_cumsum3A_212 = tpu.scan <sum>, %get3A_209 masked %broadcast_in_dim3A_211 : vector<16xi32>, vector<16xi1> -> vector<16xi32>
        %add3A_213 = vector.broadcast %add3A_207 : i32 to vector<16xi32>
        %add3A_214 = arith.addi %masked_cumsum3A_212, %add3A_213 : vector<16xi32>
        %reduce_sum3A_215 = arith.constant true
        %reduce_sum3A_216 = vector.broadcast %reduce_sum3A_215 : i1 to vector<16xi1>
        %reduce_sum3A_217 = tpu.scan <sum>, %get3A_209 masked %reduce_sum3A_216 : vector<16xi32>, vector<16xi1> -> vector<16xi32>
        %reduce_sum3A_218 = vector.extract %reduce_sum3A_217[15] : i32 from vector<16xi32>
        %add3A_219 = arith.addi %add3A_207, %reduce_sum3A_218 : i32
        %get3A_220 = arith.constant 48 : index
        %get3A_221 = tpu.vector_load %arg11[%get3A_220] {strides = array<i32>} : memref<64xi32, #tpu.memory_space<vmem>>, vector<16xi32>,
        %broadcast_in_dim3A_222 = arith.constant true
        %broadcast_in_dim3A_223 = vector.broadcast %broadcast_in_dim3A_222 : i1 to vector<16xi1>
        %masked_cumsum3A_224 = tpu.scan <sum>, %get3A_221 masked %broadcast_in_dim3A_223 : vector<16xi32>, vector<16xi1> -> vector<16xi32>
        %add3A_225 = vector.broadcast %add3A_219 : i32 to vector<16xi32>
        %add3A_226 = arith.addi %masked_cumsum3A_224, %add3A_225 : vector<16xi32>
        %reduce_sum3A_227 = arith.constant true
        %reduce_sum3A_228 = vector.broadcast %reduce_sum3A_227 : i1 to vector<16xi1>
        %reduce_sum3A_229 = tpu.scan <sum>, %get3A_221 masked %reduce_sum3A_228 : vector<16xi32>, vector<16xi1> -> vector<16xi32>
        %reduce_sum3A_230 = vector.extract %reduce_sum3A_229[15] : i32 from vector<16xi32>
        %add3A_231 = arith.addi %add3A_219, %reduce_sum3A_230 : i32
        %broadcast_in_dim3A_232 = vector.broadcast %scan3A_30 : i32 to vector<16xi32>
        %sub3A_233 = arith.constant 1 : i32
        %sub3A_234 = vector.broadcast %sub3A_233 : i32 to vector<16xi32>
        %sub3A_235 = arith.subi %add3A_189, %sub3A_234 : vector<16xi32>
        %min3A_236 = arith.constant 62 : i32
        %min3A_237 = vector.broadcast %min3A_236 : i32 to vector<16xi32>
        %min3A_238 = arith.minsi %add3A_189, %min3A_237 : vector<16xi32>
        %gather3A = tpu.vector_load_idx %arg10[%sub3A_235] : memref<64xf32, #tpu.memory_space<vmem>>[vector<16xi32>], vector<16xf32>,
        %gather3A_239 = tpu.vector_load_idx %arg10[%min3A_238] : memref<64xf32, #tpu.memory_space<vmem>>[vector<16xi32>], vector<16xf32>,
        %gather3A_240 = tpu.vector_load_idx %arg6[%broadcast_in_dim3A_232, %sub3A_235] : memref<128x64xf32, #tpu.memory_space<vmem>>[vector<16xi32>, vector<16xi32>], vector<16xf32>,
        %add3A_241 = arith.constant 1 : i32
        %add3A_242 = vector.broadcast %add3A_241 : i32 to vector<16xi32>
        %add3A_243 = arith.addi %sub3A_235, %add3A_242 : vector<16xi32>
        %gather3A_244 = tpu.vector_load_idx %arg6[%broadcast_in_dim3A_232, %add3A_243] : memref<128x64xf32, #tpu.memory_space<vmem>>[vector<16xi32>, vector<16xi32>], vector<16xf32>,
        %gather3A_245 = tpu.vector_load_idx %arg6[%broadcast_in_dim3A_232, %min3A_238] : memref<128x64xf32, #tpu.memory_space<vmem>>[vector<16xi32>, vector<16xi32>], vector<16xf32>,
        %add3A_246 = arith.constant 1 : i32
        %add3A_247 = vector.broadcast %add3A_246 : i32 to vector<16xi32>
        %add3A_248 = arith.addi %min3A_238, %add3A_247 : vector<16xi32>
        %gather3A_249 = tpu.vector_load_idx %arg6[%broadcast_in_dim3A_232, %add3A_248] : memref<128x64xf32, #tpu.memory_space<vmem>>[vector<16xi32>, vector<16xi32>], vector<16xf32>,
        %add3A_250 = arith.addf %gather3A_240, %gather3A_244 : vector<16xf32>
        %mul3A_251 = arith.constant 5.000000e-01 : f32
        %mul3A_252 = vector.broadcast %mul3A_251 : f32 to vector<16xf32>
        %mul3A_253 = arith.mulf %mul3A_252, %add3A_250 : vector<16xf32>
        %add3A_254 = arith.addf %gather3A_245, %gather3A_249 : vector<16xf32>
        %mul3A_255 = arith.constant 5.000000e-01 : f32
        %mul3A_256 = vector.broadcast %mul3A_255 : f32 to vector<16xf32>
        %mul3A_257 = arith.mulf %mul3A_256, %add3A_254 : vector<16xf32>
        %sub3A_258 = arith.subf %gather3A_239, %gather3A : vector<16xf32>
        %lt3A_259 = arith.constant 9.99999974E-6 : f32
        %lt3A_260 = vector.broadcast %lt3A_259 : f32 to vector<16xf32>
        %lt3A_261 = arith.cmpf olt, %sub3A_258, %lt3A_260 : vector<16xf32>
        %jit3A = arith.constant 1.000000e+00 : f32
        %broadcast_in_dim3A_262 = vector.broadcast %jit3A : f32 to vector<16xf32>
        %select_n3A = arith.select %lt3A_261, %broadcast_in_dim3A_262, %sub3A_258 : vector<16xi1>, vector<16xf32>
        %sub3A_263 = arith.subf %get3A_1, %gather3A : vector<16xf32>
        %div3A_264 = arith.divf %sub3A_263, %select_n3A : vector<16xf32>
        %sub3A_265 = arith.subf %mul3A_257, %mul3A_253 : vector<16xf32>
        %mul3A_266 = arith.mulf %div3A_264, %sub3A_265 : vector<16xf32>
        %add3A_267 = arith.addf %mul3A_253, %mul3A_266 : vector<16xf32>
        %sub3A_268 = arith.constant 1 : i32
        %sub3A_269 = vector.broadcast %sub3A_268 : i32 to vector<16xi32>
        %sub3A_270 = arith.subi %add3A_202, %sub3A_269 : vector<16xi32>
        %min3A_271 = arith.constant 62 : i32
        %min3A_272 = vector.broadcast %min3A_271 : i32 to vector<16xi32>
        %min3A_273 = arith.minsi %add3A_202, %min3A_272 : vector<16xi32>
        %gather3A_274 = tpu.vector_load_idx %arg10[%sub3A_270] : memref<64xf32, #tpu.memory_space<vmem>>[vector<16xi32>], vector<16xf32>,
        %gather3A_275 = tpu.vector_load_idx %arg10[%min3A_273] : memref<64xf32, #tpu.memory_space<vmem>>[vector<16xi32>], vector<16xf32>,
        %gather3A_276 = tpu.vector_load_idx %arg6[%broadcast_in_dim3A_232, %sub3A_270] : memref<128x64xf32, #tpu.memory_space<vmem>>[vector<16xi32>, vector<16xi32>], vector<16xf32>,
        %add3A_277 = arith.constant 1 : i32
        %add3A_278 = vector.broadcast %add3A_277 : i32 to vector<16xi32>
        %add3A_279 = arith.addi %sub3A_270, %add3A_278 : vector<16xi32>
        %gather3A_280 = tpu.vector_load_idx %arg6[%broadcast_in_dim3A_232, %add3A_279] : memref<128x64xf32, #tpu.memory_space<vmem>>[vector<16xi32>, vector<16xi32>], vector<16xf32>,
        %gather3A_281 = tpu.vector_load_idx %arg6[%broadcast_in_dim3A_232, %min3A_273] : memref<128x64xf32, #tpu.memory_space<vmem>>[vector<16xi32>, vector<16xi32>], vector<16xf32>,
        %add3A_282 = arith.constant 1 : i32
        %add3A_283 = vector.broadcast %add3A_282 : i32 to vector<16xi32>
        %add3A_284 = arith.addi %min3A_273, %add3A_283 : vector<16xi32>
        %gather3A_285 = tpu.vector_load_idx %arg6[%broadcast_in_dim3A_232, %add3A_284] : memref<128x64xf32, #tpu.memory_space<vmem>>[vector<16xi32>, vector<16xi32>], vector<16xf32>,
        %add3A_286 = arith.addf %gather3A_276, %gather3A_280 : vector<16xf32>
        %mul3A_287 = arith.constant 5.000000e-01 : f32
        %mul3A_288 = vector.broadcast %mul3A_287 : f32 to vector<16xf32>
        %mul3A_289 = arith.mulf %mul3A_288, %add3A_286 : vector<16xf32>
        %add3A_290 = arith.addf %gather3A_281, %gather3A_285 : vector<16xf32>
        %mul3A_291 = arith.constant 5.000000e-01 : f32
        %mul3A_292 = vector.broadcast %mul3A_291 : f32 to vector<16xf32>
        %mul3A_293 = arith.mulf %mul3A_292, %add3A_290 : vector<16xf32>
        %sub3A_294 = arith.subf %gather3A_275, %gather3A_274 : vector<16xf32>
        %lt3A_295 = arith.constant 9.99999974E-6 : f32
        %lt3A_296 = vector.broadcast %lt3A_295 : f32 to vector<16xf32>
        %lt3A_297 = arith.cmpf olt, %sub3A_294, %lt3A_296 : vector<16xf32>
        %jit3A_298 = arith.constant 1.000000e+00 : f32
        %broadcast_in_dim3A_299 = vector.broadcast %jit3A_298 : f32 to vector<16xf32>
        %select_n3A_300 = arith.select %lt3A_297, %broadcast_in_dim3A_299, %sub3A_294 : vector<16xi1>, vector<16xf32>
        %sub3A_301 = arith.subf %get3A_3, %gather3A_274 : vector<16xf32>
        %div3A_302 = arith.divf %sub3A_301, %select_n3A_300 : vector<16xf32>
        %sub3A_303 = arith.subf %mul3A_293, %mul3A_289 : vector<16xf32>
        %mul3A_304 = arith.mulf %div3A_302, %sub3A_303 : vector<16xf32>
        %add3A_305 = arith.addf %mul3A_289, %mul3A_304 : vector<16xf32>
        %sub3A_306 = arith.constant 1 : i32
        %sub3A_307 = vector.broadcast %sub3A_306 : i32 to vector<16xi32>
        %sub3A_308 = arith.subi %add3A_214, %sub3A_307 : vector<16xi32>
        %min3A_309 = arith.constant 62 : i32
        %min3A_310 = vector.broadcast %min3A_309 : i32 to vector<16xi32>
        %min3A_311 = arith.minsi %add3A_214, %min3A_310 : vector<16xi32>
        %gather3A_312 = tpu.vector_load_idx %arg10[%sub3A_308] : memref<64xf32, #tpu.memory_space<vmem>>[vector<16xi32>], vector<16xf32>,
        %gather3A_313 = tpu.vector_load_idx %arg10[%min3A_311] : memref<64xf32, #tpu.memory_space<vmem>>[vector<16xi32>], vector<16xf32>,
        %gather3A_314 = tpu.vector_load_idx %arg6[%broadcast_in_dim3A_232, %sub3A_308] : memref<128x64xf32, #tpu.memory_space<vmem>>[vector<16xi32>, vector<16xi32>], vector<16xf32>,
        %add3A_315 = arith.constant 1 : i32
        %add3A_316 = vector.broadcast %add3A_315 : i32 to vector<16xi32>
        %add3A_317 = arith.addi %sub3A_308, %add3A_316 : vector<16xi32>
        %gather3A_318 = tpu.vector_load_idx %arg6[%broadcast_in_dim3A_232, %add3A_317] : memref<128x64xf32, #tpu.memory_space<vmem>>[vector<16xi32>, vector<16xi32>], vector<16xf32>,
        %gather3A_319 = tpu.vector_load_idx %arg6[%broadcast_in_dim3A_232, %min3A_311] : memref<128x64xf32, #tpu.memory_space<vmem>>[vector<16xi32>, vector<16xi32>], vector<16xf32>,
        %add3A_320 = arith.constant 1 : i32
        %add3A_321 = vector.broadcast %add3A_320 : i32 to vector<16xi32>
        %add3A_322 = arith.addi %min3A_311, %add3A_321 : vector<16xi32>
        %gather3A_323 = tpu.vector_load_idx %arg6[%broadcast_in_dim3A_232, %add3A_322] : memref<128x64xf32, #tpu.memory_space<vmem>>[vector<16xi32>, vector<16xi32>], vector<16xf32>,
        %add3A_324 = arith.addf %gather3A_314, %gather3A_318 : vector<16xf32>
        %mul3A_325 = arith.constant 5.000000e-01 : f32
        %mul3A_326 = vector.broadcast %mul3A_325 : f32 to vector<16xf32>
        %mul3A_327 = arith.mulf %mul3A_326, %add3A_324 : vector<16xf32>
        %add3A_328 = arith.addf %gather3A_319, %gather3A_323 : vector<16xf32>
        %mul3A_329 = arith.constant 5.000000e-01 : f32
        %mul3A_330 = vector.broadcast %mul3A_329 : f32 to vector<16xf32>
        %mul3A_331 = arith.mulf %mul3A_330, %add3A_328 : vector<16xf32>
        %sub3A_332 = arith.subf %gather3A_313, %gather3A_312 : vector<16xf32>
        %lt3A_333 = arith.constant 9.99999974E-6 : f32
        %lt3A_334 = vector.broadcast %lt3A_333 : f32 to vector<16xf32>
        %lt3A_335 = arith.cmpf olt, %sub3A_332, %lt3A_334 : vector<16xf32>
        %jit3A_336 = arith.constant 1.000000e+00 : f32
        %broadcast_in_dim3A_337 = vector.broadcast %jit3A_336 : f32 to vector<16xf32>
        %select_n3A_338 = arith.select %lt3A_335, %broadcast_in_dim3A_337, %sub3A_332 : vector<16xi1>, vector<16xf32>
        %sub3A_339 = arith.subf %get3A_5, %gather3A_312 : vector<16xf32>
        %div3A_340 = arith.divf %sub3A_339, %select_n3A_338 : vector<16xf32>
        %sub3A_341 = arith.subf %mul3A_331, %mul3A_327 : vector<16xf32>
        %mul3A_342 = arith.mulf %div3A_340, %sub3A_341 : vector<16xf32>
        %add3A_343 = arith.addf %mul3A_327, %mul3A_342 : vector<16xf32>
        %sub3A_344 = arith.constant 1 : i32
        %sub3A_345 = vector.broadcast %sub3A_344 : i32 to vector<16xi32>
        %sub3A_346 = arith.subi %add3A_226, %sub3A_345 : vector<16xi32>
        %min3A_347 = arith.constant 62 : i32
        %min3A_348 = vector.broadcast %min3A_347 : i32 to vector<16xi32>
        %min3A_349 = arith.minsi %add3A_226, %min3A_348 : vector<16xi32>
        %gather3A_350 = tpu.vector_load_idx %arg10[%sub3A_346] : memref<64xf32, #tpu.memory_space<vmem>>[vector<16xi32>], vector<16xf32>,
        %gather3A_351 = tpu.vector_load_idx %arg10[%min3A_349] : memref<64xf32, #tpu.memory_space<vmem>>[vector<16xi32>], vector<16xf32>,
        %gather3A_352 = tpu.vector_load_idx %arg6[%broadcast_in_dim3A_232, %sub3A_346] : memref<128x64xf32, #tpu.memory_space<vmem>>[vector<16xi32>, vector<16xi32>], vector<16xf32>,
        %add3A_353 = arith.constant 1 : i32
        %add3A_354 = vector.broadcast %add3A_353 : i32 to vector<16xi32>
        %add3A_355 = arith.addi %sub3A_346, %add3A_354 : vector<16xi32>
        %gather3A_356 = tpu.vector_load_idx %arg6[%broadcast_in_dim3A_232, %add3A_355] : memref<128x64xf32, #tpu.memory_space<vmem>>[vector<16xi32>, vector<16xi32>], vector<16xf32>,
        %gather3A_357 = tpu.vector_load_idx %arg6[%broadcast_in_dim3A_232, %min3A_349] : memref<128x64xf32, #tpu.memory_space<vmem>>[vector<16xi32>, vector<16xi32>], vector<16xf32>,
        %add3A_358 = arith.constant 1 : i32
        %add3A_359 = vector.broadcast %add3A_358 : i32 to vector<16xi32>
        %add3A_360 = arith.addi %min3A_349, %add3A_359 : vector<16xi32>
        %gather3A_361 = tpu.vector_load_idx %arg6[%broadcast_in_dim3A_232, %add3A_360] : memref<128x64xf32, #tpu.memory_space<vmem>>[vector<16xi32>, vector<16xi32>], vector<16xf32>,
        %add3A_362 = arith.addf %gather3A_352, %gather3A_356 : vector<16xf32>
        %mul3A_363 = arith.constant 5.000000e-01 : f32
        %mul3A_364 = vector.broadcast %mul3A_363 : f32 to vector<16xf32>
        %mul3A_365 = arith.mulf %mul3A_364, %add3A_362 : vector<16xf32>
        %add3A_366 = arith.addf %gather3A_357, %gather3A_361 : vector<16xf32>
        %mul3A_367 = arith.constant 5.000000e-01 : f32
        %mul3A_368 = vector.broadcast %mul3A_367 : f32 to vector<16xf32>
        %mul3A_369 = arith.mulf %mul3A_368, %add3A_366 : vector<16xf32>
        %sub3A_370 = arith.subf %gather3A_351, %gather3A_350 : vector<16xf32>
        %lt3A_371 = arith.constant 9.99999974E-6 : f32
        %lt3A_372 = vector.broadcast %lt3A_371 : f32 to vector<16xf32>
        %lt3A_373 = arith.cmpf olt, %sub3A_370, %lt3A_372 : vector<16xf32>
        %jit3A_374 = arith.constant 1.000000e+00 : f32
        %broadcast_in_dim3A_375 = vector.broadcast %jit3A_374 : f32 to vector<16xf32>
        %select_n3A_376 = arith.select %lt3A_373, %broadcast_in_dim3A_375, %sub3A_370 : vector<16xi1>, vector<16xf32>
        %sub3A_377 = arith.subf %get3A_7, %gather3A_350 : vector<16xf32>
        %div3A_378 = arith.divf %sub3A_377, %select_n3A_376 : vector<16xf32>
        %sub3A_379 = arith.subf %mul3A_369, %mul3A_365 : vector<16xf32>
        %mul3A_380 = arith.mulf %div3A_378, %sub3A_379 : vector<16xf32>
        %add3A_381 = arith.addf %mul3A_365, %mul3A_380 : vector<16xf32>
        %sort3A = arith.constant dense<true> : vector<16xi1>
        %sort3A_382, %sort3A_383, %sort3A_384 = tpu.sort %get3A_33, %get3A_33 masked %sort3A : (vector<16xf32>, vector<16xf32>, vector<16xi1>) -> (vector<16xi1>, vector<16xf32>, vector<16xf32>)
        %sort3A_385 = arith.constant dense<true> : vector<16xi1>
        %sort3A_386, %sort3A_387, %sort3A_388 = tpu.sort %get3A_36, %get3A_36 masked %sort3A_385 : (vector<16xf32>, vector<16xf32>, vector<16xi1>) -> (vector<16xi1>, vector<16xf32>, vector<16xf32>)
        %sort3A_389 = arith.constant dense<true> : vector<16xi1>
        %sort3A_390, %sort3A_391, %sort3A_392 = tpu.sort %get3A_39, %get3A_39 masked %sort3A_389 : (vector<16xf32>, vector<16xf32>, vector<16xi1>) -> (vector<16xi1>, vector<16xf32>, vector<16xf32>)
        %sort3A_393 = arith.constant dense<true> : vector<16xi1>
        %sort3A_394, %sort3A_395, %sort3A_396 = tpu.sort %get3A_42, %get3A_42 masked %sort3A_393 : (vector<16xf32>, vector<16xf32>, vector<16xi1>) -> (vector<16xi1>, vector<16xf32>, vector<16xf32>)
        %sort3A_397 = arith.constant dense<true> : vector<16xi1>
        %sort3A_398, %sort3A_399, %sort3A_400 = tpu.sort %add3A_267, %add3A_267 masked %sort3A_397 : (vector<16xf32>, vector<16xf32>, vector<16xi1>) -> (vector<16xi1>, vector<16xf32>, vector<16xf32>)
        %sort3A_401 = arith.constant dense<true> : vector<16xi1>
        %sort3A_402, %sort3A_403, %sort3A_404 = tpu.sort %add3A_305, %add3A_305 masked %sort3A_401 : (vector<16xf32>, vector<16xf32>, vector<16xi1>) -> (vector<16xi1>, vector<16xf32>, vector<16xf32>)
        %sort3A_405 = arith.constant dense<true> : vector<16xi1>
        %sort3A_406, %sort3A_407, %sort3A_408 = tpu.sort %add3A_343, %add3A_343 masked %sort3A_405 : (vector<16xf32>, vector<16xf32>, vector<16xi1>) -> (vector<16xi1>, vector<16xf32>, vector<16xf32>)
        %sort3A_409 = arith.constant dense<true> : vector<16xi1>
        %sort3A_410, %sort3A_411, %sort3A_412 = tpu.sort %add3A_381, %add3A_381 masked %sort3A_409 : (vector<16xf32>, vector<16xf32>, vector<16xi1>) -> (vector<16xi1>, vector<16xf32>, vector<16xf32>)
        %rev3A = arith.constant 15 : i32
        %rev3A_413 = vector.broadcast %rev3A : i32 to vector<16xi32>
        %rev3A_414 = tpu.iota {dimensions = array<i32: 0>} : vector<16xi32>
        %rev3A_415 = arith.subi %rev3A_413, %rev3A_414 : vector<16xi32>
        %rev3A_416 = tpu.dynamic_gather %sort3A_387[%rev3A_415] in [0] : vector<16xf32>, vector<16xi32> -> vector<16xf32>
        %min3A_417 = arith.minimumf %sort3A_383, %rev3A_416 : vector<16xf32>
        %max3A = arith.maximumf %sort3A_383, %rev3A_416 : vector<16xf32>
        %sort3A_418 = arith.constant dense<true> : vector<16xi1>
        %sort3A_419, %sort3A_420, %sort3A_421 = tpu.sort %min3A_417, %min3A_417 masked %sort3A_418 : (vector<16xf32>, vector<16xf32>, vector<16xi1>) -> (vector<16xi1>, vector<16xf32>, vector<16xf32>)
        %sort3A_422 = arith.constant dense<true> : vector<16xi1>
        %sort3A_423, %sort3A_424, %sort3A_425 = tpu.sort %max3A, %max3A masked %sort3A_422 : (vector<16xf32>, vector<16xf32>, vector<16xi1>) -> (vector<16xi1>, vector<16xf32>, vector<16xf32>)
        %rev3A_426 = arith.constant 15 : i32
        %rev3A_427 = vector.broadcast %rev3A_426 : i32 to vector<16xi32>
        %rev3A_428 = tpu.iota {dimensions = array<i32: 0>} : vector<16xi32>
        %rev3A_429 = arith.subi %rev3A_427, %rev3A_428 : vector<16xi32>
        %rev3A_430 = tpu.dynamic_gather %sort3A_395[%rev3A_429] in [0] : vector<16xf32>, vector<16xi32> -> vector<16xf32>
        %min3A_431 = arith.minimumf %sort3A_391, %rev3A_430 : vector<16xf32>
        %max3A_432 = arith.maximumf %sort3A_391, %rev3A_430 : vector<16xf32>
        %sort3A_433 = arith.constant dense<true> : vector<16xi1>
        %sort3A_434, %sort3A_435, %sort3A_436 = tpu.sort %min3A_431, %min3A_431 masked %sort3A_433 : (vector<16xf32>, vector<16xf32>, vector<16xi1>) -> (vector<16xi1>, vector<16xf32>, vector<16xf32>)
        %sort3A_437 = arith.constant dense<true> : vector<16xi1>
        %sort3A_438, %sort3A_439, %sort3A_440 = tpu.sort %max3A_432, %max3A_432 masked %sort3A_437 : (vector<16xf32>, vector<16xf32>, vector<16xi1>) -> (vector<16xi1>, vector<16xf32>, vector<16xf32>)
        %rev3A_441 = arith.constant 15 : i32
        %rev3A_442 = vector.broadcast %rev3A_441 : i32 to vector<16xi32>
        %rev3A_443 = tpu.iota {dimensions = array<i32: 0>} : vector<16xi32>
        %rev3A_444 = arith.subi %rev3A_442, %rev3A_443 : vector<16xi32>
        %rev3A_445 = tpu.dynamic_gather %sort3A_403[%rev3A_444] in [0] : vector<16xf32>, vector<16xi32> -> vector<16xf32>
        %min3A_446 = arith.minimumf %sort3A_399, %rev3A_445 : vector<16xf32>
        %max3A_447 = arith.maximumf %sort3A_399, %rev3A_445 : vector<16xf32>
        %sort3A_448 = arith.constant dense<true> : vector<16xi1>
        %sort3A_449, %sort3A_450, %sort3A_451 = tpu.sort %min3A_446, %min3A_446 masked %sort3A_448 : (vector<16xf32>, vector<16xf32>, vector<16xi1>) -> (vector<16xi1>, vector<16xf32>, vector<16xf32>)
        %sort3A_452 = arith.constant dense<true> : vector<16xi1>
        %sort3A_453, %sort3A_454, %sort3A_455 = tpu.sort %max3A_447, %max3A_447 masked %sort3A_452 : (vector<16xf32>, vector<16xf32>, vector<16xi1>) -> (vector<16xi1>, vector<16xf32>, vector<16xf32>)
        %rev3A_456 = arith.constant 15 : i32
        %rev3A_457 = vector.broadcast %rev3A_456 : i32 to vector<16xi32>
        %rev3A_458 = tpu.iota {dimensions = array<i32: 0>} : vector<16xi32>
        %rev3A_459 = arith.subi %rev3A_457, %rev3A_458 : vector<16xi32>
        %rev3A_460 = tpu.dynamic_gather %sort3A_411[%rev3A_459] in [0] : vector<16xf32>, vector<16xi32> -> vector<16xf32>
        %min3A_461 = arith.minimumf %sort3A_407, %rev3A_460 : vector<16xf32>
        %max3A_462 = arith.maximumf %sort3A_407, %rev3A_460 : vector<16xf32>
        %sort3A_463 = arith.constant dense<true> : vector<16xi1>
        %sort3A_464, %sort3A_465, %sort3A_466 = tpu.sort %min3A_461, %min3A_461 masked %sort3A_463 : (vector<16xf32>, vector<16xf32>, vector<16xi1>) -> (vector<16xi1>, vector<16xf32>, vector<16xf32>)
        %sort3A_467 = arith.constant dense<true> : vector<16xi1>
        %sort3A_468, %sort3A_469, %sort3A_470 = tpu.sort %max3A_462, %max3A_462 masked %sort3A_467 : (vector<16xf32>, vector<16xf32>, vector<16xi1>) -> (vector<16xi1>, vector<16xf32>, vector<16xf32>)
        %rev3A_471 = arith.constant 15 : i32
        %rev3A_472 = vector.broadcast %rev3A_471 : i32 to vector<16xi32>
        %rev3A_473 = tpu.iota {dimensions = array<i32: 0>} : vector<16xi32>
        %rev3A_474 = arith.subi %rev3A_472, %rev3A_473 : vector<16xi32>
        %rev3A_475 = tpu.dynamic_gather %sort3A_439[%rev3A_474] in [0] : vector<16xf32>, vector<16xi32> -> vector<16xf32>
        %rev3A_476 = arith.constant 15 : i32
        %rev3A_477 = vector.broadcast %rev3A_476 : i32 to vector<16xi32>
        %rev3A_478 = tpu.iota {dimensions = array<i32: 0>} : vector<16xi32>
        %rev3A_479 = arith.subi %rev3A_477, %rev3A_478 : vector<16xi32>
        %rev3A_480 = tpu.dynamic_gather %sort3A_435[%rev3A_479] in [0] : vector<16xf32>, vector<16xi32> -> vector<16xf32>
        %min3A_481 = arith.minimumf %sort3A_420, %rev3A_475 : vector<16xf32>
        %min3A_482 = arith.minimumf %sort3A_424, %rev3A_480 : vector<16xf32>
        %max3A_483 = arith.maximumf %sort3A_420, %rev3A_475 : vector<16xf32>
        %max3A_484 = arith.maximumf %sort3A_424, %rev3A_480 : vector<16xf32>
        %min3A_485 = arith.minimumf %min3A_481, %min3A_482 : vector<16xf32>
        %max3A_486 = arith.maximumf %min3A_481, %min3A_482 : vector<16xf32>
        %sort3A_487 = arith.constant dense<true> : vector<16xi1>
        %sort3A_488, %sort3A_489, %sort3A_490 = tpu.sort %min3A_485, %min3A_485 masked %sort3A_487 : (vector<16xf32>, vector<16xf32>, vector<16xi1>) -> (vector<16xi1>, vector<16xf32>, vector<16xf32>)
        %sort3A_491 = arith.constant dense<true> : vector<16xi1>
        %sort3A_492, %sort3A_493, %sort3A_494 = tpu.sort %max3A_486, %max3A_486 masked %sort3A_491 : (vector<16xf32>, vector<16xf32>, vector<16xi1>) -> (vector<16xi1>, vector<16xf32>, vector<16xf32>)
        %min3A_495 = arith.minimumf %max3A_483, %max3A_484 : vector<16xf32>
        %max3A_496 = arith.maximumf %max3A_483, %max3A_484 : vector<16xf32>
        %sort3A_497 = arith.constant dense<true> : vector<16xi1>
        %sort3A_498, %sort3A_499, %sort3A_500 = tpu.sort %min3A_495, %min3A_495 masked %sort3A_497 : (vector<16xf32>, vector<16xf32>, vector<16xi1>) -> (vector<16xi1>, vector<16xf32>, vector<16xf32>)
        %sort3A_501 = arith.constant dense<true> : vector<16xi1>
        %sort3A_502, %sort3A_503, %sort3A_504 = tpu.sort %max3A_496, %max3A_496 masked %sort3A_501 : (vector<16xf32>, vector<16xf32>, vector<16xi1>) -> (vector<16xi1>, vector<16xf32>, vector<16xf32>)
        %rev3A_505 = arith.constant 15 : i32
        %rev3A_506 = vector.broadcast %rev3A_505 : i32 to vector<16xi32>
        %rev3A_507 = tpu.iota {dimensions = array<i32: 0>} : vector<16xi32>
        %rev3A_508 = arith.subi %rev3A_506, %rev3A_507 : vector<16xi32>
        %rev3A_509 = tpu.dynamic_gather %sort3A_469[%rev3A_508] in [0] : vector<16xf32>, vector<16xi32> -> vector<16xf32>
        %rev3A_510 = arith.constant 15 : i32
        %rev3A_511 = vector.broadcast %rev3A_510 : i32 to vector<16xi32>
        %rev3A_512 = tpu.iota {dimensions = array<i32: 0>} : vector<16xi32>
        %rev3A_513 = arith.subi %rev3A_511, %rev3A_512 : vector<16xi32>
        %rev3A_514 = tpu.dynamic_gather %sort3A_465[%rev3A_513] in [0] : vector<16xf32>, vector<16xi32> -> vector<16xf32>
        %min3A_515 = arith.minimumf %sort3A_450, %rev3A_509 : vector<16xf32>
        %min3A_516 = arith.minimumf %sort3A_454, %rev3A_514 : vector<16xf32>
        %max3A_517 = arith.maximumf %sort3A_450, %rev3A_509 : vector<16xf32>
        %max3A_518 = arith.maximumf %sort3A_454, %rev3A_514 : vector<16xf32>
        %min3A_519 = arith.minimumf %min3A_515, %min3A_516 : vector<16xf32>
        %max3A_520 = arith.maximumf %min3A_515, %min3A_516 : vector<16xf32>
        %sort3A_521 = arith.constant dense<true> : vector<16xi1>
        %sort3A_522, %sort3A_523, %sort3A_524 = tpu.sort %min3A_519, %min3A_519 masked %sort3A_521 : (vector<16xf32>, vector<16xf32>, vector<16xi1>) -> (vector<16xi1>, vector<16xf32>, vector<16xf32>)
        %sort3A_525 = arith.constant dense<true> : vector<16xi1>
        %sort3A_526, %sort3A_527, %sort3A_528 = tpu.sort %max3A_520, %max3A_520 masked %sort3A_525 : (vector<16xf32>, vector<16xf32>, vector<16xi1>) -> (vector<16xi1>, vector<16xf32>, vector<16xf32>)
        %min3A_529 = arith.minimumf %max3A_517, %max3A_518 : vector<16xf32>
        %max3A_530 = arith.maximumf %max3A_517, %max3A_518 : vector<16xf32>
        %sort3A_531 = arith.constant dense<true> : vector<16xi1>
        %sort3A_532, %sort3A_533, %sort3A_534 = tpu.sort %min3A_529, %min3A_529 masked %sort3A_531 : (vector<16xf32>, vector<16xf32>, vector<16xi1>) -> (vector<16xi1>, vector<16xf32>, vector<16xf32>)
        %sort3A_535 = arith.constant dense<true> : vector<16xi1>
        %sort3A_536, %sort3A_537, %sort3A_538 = tpu.sort %max3A_530, %max3A_530 masked %sort3A_535 : (vector<16xf32>, vector<16xf32>, vector<16xi1>) -> (vector<16xi1>, vector<16xf32>, vector<16xf32>)
        %rev3A_539 = arith.constant 15 : i32
        %rev3A_540 = vector.broadcast %rev3A_539 : i32 to vector<16xi32>
        %rev3A_541 = tpu.iota {dimensions = array<i32: 0>} : vector<16xi32>
        %rev3A_542 = arith.subi %rev3A_540, %rev3A_541 : vector<16xi32>
        %rev3A_543 = tpu.dynamic_gather %sort3A_537[%rev3A_542] in [0] : vector<16xf32>, vector<16xi32> -> vector<16xf32>
        %rev3A_544 = arith.constant 15 : i32
        %rev3A_545 = vector.broadcast %rev3A_544 : i32 to vector<16xi32>
        %rev3A_546 = tpu.iota {dimensions = array<i32: 0>} : vector<16xi32>
        %rev3A_547 = arith.subi %rev3A_545, %rev3A_546 : vector<16xi32>
        %rev3A_548 = tpu.dynamic_gather %sort3A_533[%rev3A_547] in [0] : vector<16xf32>, vector<16xi32> -> vector<16xf32>
        %rev3A_549 = arith.constant 15 : i32
        %rev3A_550 = vector.broadcast %rev3A_549 : i32 to vector<16xi32>
        %rev3A_551 = tpu.iota {dimensions = array<i32: 0>} : vector<16xi32>
        %rev3A_552 = arith.subi %rev3A_550, %rev3A_551 : vector<16xi32>
        %rev3A_553 = tpu.dynamic_gather %sort3A_527[%rev3A_552] in [0] : vector<16xf32>, vector<16xi32> -> vector<16xf32>
        %rev3A_554 = arith.constant 15 : i32
        %rev3A_555 = vector.broadcast %rev3A_554 : i32 to vector<16xi32>
        %rev3A_556 = tpu.iota {dimensions = array<i32: 0>} : vector<16xi32>
        %rev3A_557 = arith.subi %rev3A_555, %rev3A_556 : vector<16xi32>
        %rev3A_558 = tpu.dynamic_gather %sort3A_523[%rev3A_557] in [0] : vector<16xf32>, vector<16xi32> -> vector<16xf32>
        %min3A_559 = arith.minimumf %sort3A_489, %rev3A_543 : vector<16xf32>
        %min3A_560 = arith.minimumf %sort3A_493, %rev3A_548 : vector<16xf32>
        %min3A_561 = arith.minimumf %sort3A_499, %rev3A_553 : vector<16xf32>
        %min3A_562 = arith.minimumf %sort3A_503, %rev3A_558 : vector<16xf32>
        %max3A_563 = arith.maximumf %sort3A_489, %rev3A_543 : vector<16xf32>
        %max3A_564 = arith.maximumf %sort3A_493, %rev3A_548 : vector<16xf32>
        %max3A_565 = arith.maximumf %sort3A_499, %rev3A_553 : vector<16xf32>
        %max3A_566 = arith.maximumf %sort3A_503, %rev3A_558 : vector<16xf32>
        %min3A_567 = arith.minimumf %min3A_559, %min3A_561 : vector<16xf32>
        %min3A_568 = arith.minimumf %min3A_560, %min3A_562 : vector<16xf32>
        %max3A_569 = arith.maximumf %min3A_559, %min3A_561 : vector<16xf32>
        %max3A_570 = arith.maximumf %min3A_560, %min3A_562 : vector<16xf32>
        %min3A_571 = arith.minimumf %min3A_567, %min3A_568 : vector<16xf32>
        %max3A_572 = arith.maximumf %min3A_567, %min3A_568 : vector<16xf32>
        %sort3A_573 = arith.constant dense<true> : vector<16xi1>
        %sort3A_574, %sort3A_575, %sort3A_576 = tpu.sort %min3A_571, %min3A_571 masked %sort3A_573 : (vector<16xf32>, vector<16xf32>, vector<16xi1>) -> (vector<16xi1>, vector<16xf32>, vector<16xf32>)
        %sort3A_577 = arith.constant dense<true> : vector<16xi1>
        %sort3A_578, %sort3A_579, %sort3A_580 = tpu.sort %max3A_572, %max3A_572 masked %sort3A_577 : (vector<16xf32>, vector<16xf32>, vector<16xi1>) -> (vector<16xi1>, vector<16xf32>, vector<16xf32>)
        %min3A_581 = arith.minimumf %max3A_569, %max3A_570 : vector<16xf32>
        %max3A_582 = arith.maximumf %max3A_569, %max3A_570 : vector<16xf32>
        %sort3A_583 = arith.constant dense<true> : vector<16xi1>
        %sort3A_584, %sort3A_585, %sort3A_586 = tpu.sort %min3A_581, %min3A_581 masked %sort3A_583 : (vector<16xf32>, vector<16xf32>, vector<16xi1>) -> (vector<16xi1>, vector<16xf32>, vector<16xf32>)
        %sort3A_587 = arith.constant dense<true> : vector<16xi1>
        %sort3A_588, %sort3A_589, %sort3A_590 = tpu.sort %max3A_582, %max3A_582 masked %sort3A_587 : (vector<16xf32>, vector<16xf32>, vector<16xi1>) -> (vector<16xi1>, vector<16xf32>, vector<16xf32>)
        %min3A_591 = arith.minimumf %max3A_563, %max3A_565 : vector<16xf32>
        %min3A_592 = arith.minimumf %max3A_564, %max3A_566 : vector<16xf32>
        %max3A_593 = arith.maximumf %max3A_563, %max3A_565 : vector<16xf32>
        %max3A_594 = arith.maximumf %max3A_564, %max3A_566 : vector<16xf32>
        %min3A_595 = arith.minimumf %min3A_591, %min3A_592 : vector<16xf32>
        %max3A_596 = arith.maximumf %min3A_591, %min3A_592 : vector<16xf32>
        %sort3A_597 = arith.constant dense<true> : vector<16xi1>
        %sort3A_598, %sort3A_599, %sort3A_600 = tpu.sort %min3A_595, %min3A_595 masked %sort3A_597 : (vector<16xf32>, vector<16xf32>, vector<16xi1>) -> (vector<16xi1>, vector<16xf32>, vector<16xf32>)
        %sort3A_601 = arith.constant dense<true> : vector<16xi1>
        %sort3A_602, %sort3A_603, %sort3A_604 = tpu.sort %max3A_596, %max3A_596 masked %sort3A_601 : (vector<16xf32>, vector<16xf32>, vector<16xi1>) -> (vector<16xi1>, vector<16xf32>, vector<16xf32>)
        %min3A_605 = arith.minimumf %max3A_593, %max3A_594 : vector<16xf32>
        %max3A_606 = arith.maximumf %max3A_593, %max3A_594 : vector<16xf32>
        %sort3A_607 = arith.constant dense<true> : vector<16xi1>
        %sort3A_608, %sort3A_609, %sort3A_610 = tpu.sort %min3A_605, %min3A_605 masked %sort3A_607 : (vector<16xf32>, vector<16xf32>, vector<16xi1>) -> (vector<16xi1>, vector<16xf32>, vector<16xf32>)
        %sort3A_611 = arith.constant dense<true> : vector<16xi1>
        %sort3A_612, %sort3A_613, %sort3A_614 = tpu.sort %max3A_606, %max3A_606 masked %sort3A_611 : (vector<16xf32>, vector<16xf32>, vector<16xi1>) -> (vector<16xi1>, vector<16xf32>, vector<16xf32>)
        %swap3A_615 = arith.index_cast %scan3A_30 : i32 to index
        %swap3A_616 = arith.constant 0 : index
        %swap3A_617 = tpu.vector_load %arg8[%swap3A_615, %swap3A_616] {strides = array<i32>} : memref<128x128xf32, #tpu.memory_space<vmem>>, vector<16xf32>,
        tpu.vector_store %arg8[%swap3A_615, %swap3A_616], %sort3A_575 {strides = array<i32>} : memref<128x128xf32, #tpu.memory_space<vmem>>, vector<16xf32>,
        %swap3A_618 = arith.index_cast %scan3A_30 : i32 to index
        %swap3A_619 = arith.constant 16 : index
        %swap3A_620 = tpu.vector_load %arg8[%swap3A_618, %swap3A_619] {strides = array<i32>} : memref<128x128xf32, #tpu.memory_space<vmem>>, vector<16xf32>,
        tpu.vector_store %arg8[%swap3A_618, %swap3A_619], %sort3A_579 {strides = array<i32>} : memref<128x128xf32, #tpu.memory_space<vmem>>, vector<16xf32>,
        %swap3A_621 = arith.index_cast %scan3A_30 : i32 to index
        %swap3A_622 = arith.constant 32 : index
        %swap3A_623 = tpu.vector_load %arg8[%swap3A_621, %swap3A_622] {strides = array<i32>} : memref<128x128xf32, #tpu.memory_space<vmem>>, vector<16xf32>,
        tpu.vector_store %arg8[%swap3A_621, %swap3A_622], %sort3A_585 {strides = array<i32>} : memref<128x128xf32, #tpu.memory_space<vmem>>, vector<16xf32>,
        %swap3A_624 = arith.index_cast %scan3A_30 : i32 to index
        %swap3A_625 = arith.constant 48 : index
        %swap3A_626 = tpu.vector_load %arg8[%swap3A_624, %swap3A_625] {strides = array<i32>} : memref<128x128xf32, #tpu.memory_space<vmem>>, vector<16xf32>,
        tpu.vector_store %arg8[%swap3A_624, %swap3A_625], %sort3A_589 {strides = array<i32>} : memref<128x128xf32, #tpu.memory_space<vmem>>, vector<16xf32>,
        %swap3A_627 = arith.index_cast %scan3A_30 : i32 to index
        %swap3A_628 = arith.constant 64 : index
        %swap3A_629 = tpu.vector_load %arg8[%swap3A_627, %swap3A_628] {strides = array<i32>} : memref<128x128xf32, #tpu.memory_space<vmem>>, vector<16xf32>,
        tpu.vector_store %arg8[%swap3A_627, %swap3A_628], %sort3A_599 {strides = array<i32>} : memref<128x128xf32, #tpu.memory_space<vmem>>, vector<16xf32>,
        %swap3A_630 = arith.index_cast %scan3A_30 : i32 to index
        %swap3A_631 = arith.constant 80 : index
        %swap3A_632 = tpu.vector_load %arg8[%swap3A_630, %swap3A_631] {strides = array<i32>} : memref<128x128xf32, #tpu.memory_space<vmem>>, vector<16xf32>,
        tpu.vector_store %arg8[%swap3A_630, %swap3A_631], %sort3A_603 {strides = array<i32>} : memref<128x128xf32, #tpu.memory_space<vmem>>, vector<16xf32>,
        %swap3A_633 = arith.index_cast %scan3A_30 : i32 to index
        %swap3A_634 = arith.constant 96 : index
        %swap3A_635 = tpu.vector_load %arg8[%swap3A_633, %swap3A_634] {strides = array<i32>} : memref<128x128xf32, #tpu.memory_space<vmem>>, vector<16xf32>,
        tpu.vector_store %arg8[%swap3A_633, %swap3A_634], %sort3A_609 {strides = array<i32>} : memref<128x128xf32, #tpu.memory_space<vmem>>, vector<16xf32>,
        %swap3A_636 = arith.index_cast %scan3A_30 : i32 to index
        %swap3A_637 = arith.constant 112 : index
        %swap3A_638 = tpu.vector_load %arg8[%swap3A_636, %swap3A_637] {strides = array<i32>} : memref<128x128xf32, #tpu.memory_space<vmem>>, vector<16xf32>,
        tpu.vector_store %arg8[%swap3A_636, %swap3A_637], %sort3A_613 {strides = array<i32>} : memref<128x128xf32, #tpu.memory_space<vmem>>, vector<16xf32>,
      }
      %scan3A_29 = arith.constant 128 : i32
      "tpu.region"() ({
        %run_scoped3A = tpu.sem_alloc : memref<!tpu.dma_semaphore, #tpu.memory_space<semaphore_mem>>
        %dma_start3A = arith.constant 0 : i32
        %dma_start3A_30 = tpu.memref_slice %arg5[%add3A_23, %dma_start3A] : memref<131072x128xf32, #tpu.memory_space<hbm>> -> memref<128x128xf32, #tpu.memory_space<hbm>>
        %dma_start3A_31 = arith.constant 0 : i32
        %dma_start3A_32 = tpu.memref_slice %arg5[%add3A_23, %dma_start3A_31] : memref<131072x128xf32, #tpu.memory_space<hbm>> -> memref<128x128xf32, #tpu.memory_space<hbm>>
        tpu.enqueue_dma source(%arg8 : memref<128x128xf32, #tpu.memory_space<vmem>>) target(%dma_start3A_32 : memref<128x128xf32, #tpu.memory_space<hbm>>) target_semaphore(%run_scoped3A : memref<!tpu.dma_semaphore, #tpu.memory_space<semaphore_mem>>)
        %dma_wait3A = arith.constant 0 : i32
        %dma_wait3A_33 = tpu.memref_slice %arg5[%add3A_23, %dma_wait3A] : memref<131072x128xf32, #tpu.memory_space<hbm>> -> memref<128x128xf32, #tpu.memory_space<hbm>>
        %dma_wait3A_34 = arith.constant 0 : i32
        %dma_wait3A_35 = tpu.memref_slice %arg5[%add3A_23, %dma_wait3A_34] : memref<131072x128xf32, #tpu.memory_space<hbm>> -> memref<128x128xf32, #tpu.memory_space<hbm>>
        tpu.wait_dma2 semaphore(%run_scoped3A : memref<!tpu.dma_semaphore, #tpu.memory_space<semaphore_mem>>) src(%arg8 : memref<128x128xf32, #tpu.memory_space<vmem>>) dst(%dma_wait3A_35 : memref<128x128xf32, #tpu.memory_space<hbm>>)
        tpu.yield
      }) : () -> ()
    }
    %scan3A_17 = arith.constant 32 : i32
    return
  }
}

</mosaic_0001>

<sc_bundles>
// kernel: kernel.3.cloned.1.call-start
scs
__scs_entry_jumppad:
0x0: {  	(pc) =	sbr.rel $0x88, $3  }
0x1: {  	(tag) =	ssettag $0x0;
	lr =	simm.s32 $0x1  }
0x2: {  	[smem:$0x3F9F] =	sst lr;
	_ =	strace $0xD0000000  }
0x3: {  	_ = 	snop  }
0x4: {  	_ = 	snop  }
0x5: {  	_ = 	snop  }
0x6: {  	_ = 	snop  }
0x7: {  	_ = 	snop  }
__scs_overlays_trampoline_lowered:
0x8: {  	[smem:$0x3FAE] =	sst s0  }
0x9: {  	[smem:$0x3FAF] =	sst s1  }
0xa: {  	[smem:$0x3FB0] =	sst s2  }
0xb: {  	[smem:$0x3FB1] =	sst s3  }
0xc: {  	[smem:$0x3FB2] =	sst s4  }
0xd: {  	[smem:$0x3FB3] =	sst s5  }
0xe: {  	[smem:$0x3FB4] =	sst s6  }
0xf: {  	[smem:$0x3FB5] =	sst s7  }
0x10: {  	[smem:$0x3FB6] =	sst s8  }
0x11: {  	[smem:$0x3FB7] =	sst s9;
	s0 =	simm.s32 @!p0 $0x0  }
0x12: {  	s1 =	sld [smem:$0x3F9D];
	s0 =	simm.s32 @p0 $0x1  }
0x13: {  	[smem:$0x3FB8] =	sst s0;
	s0 =	simm.s32 @!p1 $0x0  }
0x14: {  	s2 =	sld [smem:$0x3F9C];
	s0 =	simm.s32 @p1 $0x1  }
0x15: {  	[smem:$0x3FB9] =	sst s0;
	s0 =	simm.s32 @!p2 $0x0  }
0x16: {  	s3 =	sld [smem:$0x3FDB];
	s0 =	simm.s32 @p2 $0x1  }
0x17: {  	s4 =	simm.s32 $0x1BF5;
	[smem:$0x3FBB] =	sst s0  }
0x18: {  	s0 =	sld [smem:$0x3F9E];
	_ =	swait.ge [sflag:s4], $0x0  }
0x19: {  	s7 =	sld [smem:$0x3F9F]  }
0x1a: {  	s8 =	sadd.s32 $0xFFFFE003, lr  }
0x1b: {  	s9 =	sadd.s32 $0xFFFFFEF7, lr;
	s5 =	simm.s32 $0xFFFFFFFF;
	p2 =	slt.u32 s8, $0xFFFFF086  }
0x1c: {  	p1 =	slt.u32 s9, $0xF7A;
	s5 =	simm.s32 @!p2 $0x0  }
0x1d: {  	s5 =	simm.s32 @p1 $0x1;
	p0 =	seq.s32 s7, s2  }
0x1e: {  	s7 =	smul.u32 @!p0 $0xF7A, s2;
	p2 =	seq.s32 @!p0 s5, $0x0  }
0x1f: {  	s9 =	smul.u32 $0xF7A, s1;
	s8 =	simm.s32 @!p0 $0x1BF5;
	p2 =	por !p2, p0  }
0x20: {  	[sflag:s8] =	ssyncset.s32 @!p0 $0xFFFFF086;
	s6 =	sadd.s32 @!p0 s3, s7;
	s7 =	simm.s32 @!p0 $0x108  }
0x21: {  	s3 =	sadd.s32 s3, s9;
	s6 =	sadd.s32 @!p0 $0x88, s6;
	s7 =	simm.s32 @p2 $0x1082  }
0x22: {  	[simem:s7], [sflag:s8] =	dma.local @!p0 [hbm:s6], $0xF7A  }
0x23: {  	s9 =	sor.u32 $0xD0000000, s2;
	s6 =	simm.s32 $0x108;
	_ =	swait.ge @!p0 [sflag:s8], $0x0  }
0x24: {  	s3 =	sadd.s32 $0x88, s3;
	s6 =	simm.s32 @!p1 $0x1082;
	[sflag:s4] =	ssyncset.s32 $0xFFFFF086  }
0x25: {  	[simem:s6], [sflag:s4] =	dma.local [hbm:s3], $0xF7A  }
0x26: {  	[smem:$0x3F9F] =	sst s1;
	(tag) =	ssettag s2;
	_ =	strace s9  }
0x27: {  	s1 =	sld [smem:$0x3FAF]  }
0x28: {  	s2 =	sld [smem:$0x3FB0]  }
0x29: {  	s4 =	sld [smem:$0x3FB2]  }
0x2a: {  	p0 =	seq.s32 s5, $0x0;
	s5 =	sld [smem:$0x3FB3]  }
0x2b: {  	s6 =	sld [smem:$0x3FB4]  }
0x2c: {  	s7 =	sld [smem:$0x3FB5]  }
0x2d: {  	s3 =	simm.s32 $0x108;
	s8 =	sld [smem:$0x3FB6]  }
0x2e: {  	s3 =	simm.s32 @!p0 $0x1082;
	s9 =	sld [smem:$0x3FB7]  }
0x2f: {  	lr =	sadd.s32 s0, s3;
	s0 =	sld [smem:$0x3FAE]  }
0x30: {  	s3 =	sld [smem:$0x3FB1]  }
0x31: {  	[smem:$0x3FBA] =	sst s10  }
0x32: {  	s10 =	sld [smem:$0x3FB8];
	_ =	sdelay $0x3  }
0x33: {  	p0 =	seq.s32 s10, $0x1;
	s10 =	sld [smem:$0x3FBA];
	_ =	sdelay $0x3  }
0x34: {  	[smem:$0x3FBA] =	sst s10  }
0x35: {  	s10 =	sld [smem:$0x3FB9];
	_ =	sdelay $0x3  }
0x36: {  	p1 =	seq.s32 s10, $0x1;
	s10 =	sld [smem:$0x3FBA];
	_ =	sdelay $0x3  }
0x37: {  	[smem:$0x3FBA] =	sst s10  }
0x38: {  	s10 =	sld [smem:$0x3FBB]  }
0x39: {  	_ = 	snop;
	(pc) =	sbr.ind lr, $3  }
0x3a: {  	_ = 	snop  }
0x3b: {  	_ = 	snop  }
0x3c: {  	p2 =	seq.s32 s10, $0x1;
	s10 =	sld [smem:$0x3FBA]  }
0x3d: {  	_ =	shalt  }
0x3e: {  	_ =	shalt  }
0x3f: {  	_ =	shalt  }
0x40: {  	_ =	shalt  }
0x41: {  	_ =	shalt  }
0x42: {  	_ =	shalt  }
0x43: {  	_ =	shalt  }
0x44: {  	_ =	shalt  }
0x45: {  	_ =	shalt  }
0x46: {  	_ =	shalt  }
0x47: {  	_ =	shalt  }
0x48: {  	_ =	shalt  }
0x49: {  	_ =	shalt  }
0x4a: {  	_ =	shalt  }
0x4b: {  	_ =	shalt  }
0x4c: {  	_ =	shalt  }
0x4d: {  	_ =	shalt  }
0x4e: {  	_ =	shalt  }
0x4f: {  	_ =	shalt  }
0x50: {  	_ =	shalt  }
0x51: {  	_ =	shalt  }
0x52: {  	_ =	shalt  }
0x53: {  	_ =	shalt  }
0x54: {  	_ =	shalt  }
0x55: {  	_ =	shalt  }
0x56: {  	_ =	shalt  }
0x57: {  	_ =	shalt  }
0x58: {  	_ =	shalt  }
0x59: {  	_ =	shalt  }
0x5a: {  	_ =	shalt  }
0x5b: {  	_ =	shalt  }
0x5c: {  	_ =	shalt  }
0x5d: {  	_ =	shalt  }
0x5e: {  	_ =	shalt  }
0x5f: {  	_ =	shalt  }
0x60: {  	_ =	shalt  }
0x61: {  	_ =	shalt  }
0x62: {  	_ =	shalt  }
0x63: {  	_ =	shalt  }
0x64: {  	_ =	shalt  }
0x65: {  	_ =	shalt  }
0x66: {  	_ =	shalt  }
0x67: {  	_ =	shalt  }
0x68: {  	_ =	shalt  }
0x69: {  	_ =	shalt  }
0x6a: {  	_ =	shalt  }
0x6b: {  	_ =	shalt  }
0x6c: {  	_ =	shalt  }
0x6d: {  	_ =	shalt  }
0x6e: {  	_ =	shalt  }
0x6f: {  	_ =	shalt  }
0x70: {  	_ =	shalt  }
0x71: {  	_ =	shalt  }
0x72: {  	_ =	shalt  }
0x73: {  	_ =	shalt  }
0x74: {  	_ =	shalt  }
0x75: {  	_ =	shalt  }
0x76: {  	_ =	shalt  }
0x77: {  	_ =	shalt  }
0x78: {  	_ =	shalt  }
0x79: {  	_ =	shalt  }
0x7a: {  	_ =	shalt  }
0x7b: {  	_ =	shalt  }
0x7c: {  	_ =	shalt  }
0x7d: {  	_ =	shalt  }
0x7e: {  	_ =	shalt  }
0x7f: {  	_ =	shalt  }
0x80: {  	_ =	shalt  }
0x81: {  	_ =	shalt  }
0x82: {  	_ =	shalt  }
0x83: {  	_ =	shalt  }
0x84: {  	_ =	shalt  }
0x85: {  	_ =	shalt  }
0x86: {  	_ =	shalt  }
0x87: {  	_ =	shalt  }
.Lfunc_end0:
.L_simem_size_0:
called_computation_lowered:
.L_overlay_start_0:
0x88: {  	s2 =	sld [smem:$0x3FD9]  }
0x89: {  	s3 =	sld [smem:$0x3FFE];
	_ =	sdelay $0x1  }
0x8a: {  	s1 =	srdreg.scid  }
0x8b: {  	s0 =	sand.u32 $0x1, s1  }
0x8c: {  	s17 =	sshll.u32 s0, $0xA;
	s2 =	sadd.s32 s3, s2  }
0x8d: {  	s2 =	sadd.s32 s2, s17  }
0x8e: {  	[smem:$0x3FC6] =	sst s2  }
0x8f: {  	_ = 	snop  }
0x90: {  	s2 =	sld [smem:$0x3FD0];
	(tm) =	ssettm $0x1  }
0x91: {  	s18 =	sld [smem:$0x3FFB];
	_ =	sdelay $0x3  }
0x92: {  	_ =	strace s18  }
0x93: {  	s3 =	sld [smem:$0x3FFC];
	_ =	sdelay $0x3  }
0x94: {  	_ =	strace s3  }
0x95: {  	s3 =	sld [smem:$0x3FFD];
	_ =	sdelay $0x3  }
0x96: {  	_ =	strace s3  }
0x97: {  	_ =	strace $0x8FFFFFFF  }
0x98: {  	s19 =	sld [smem:$0x3FDB];
	_ =	sdelay $0x1  }
0x99: {  	s4 =	simm.s32 $_scs_section_size  }
0x9a: {  	s5 =	simm.s32 $_size__tile_overlayer_lowered;
	s6 =	simm.s32 $_tile_overlayer_lowered  }
0x9b: {  	s22 =	simm.s32 $0x1BFF;
	s21 =	sshll.u32 s6, $0x1;
	s3 =	sadd.s32 s4, s19  }
0x9c: {  	s7 =	simm.s32 $0x0;
	s20 =	sshll.u32 s5, $0x1;
	s5 =	sadd.s32 s21, s3  }
0x9d: {  	[timem:s7], [sflag:s22] =	dma.local [hbm:s5], s20  }
0x9e: {  	_ =	swait.ge [sflag:s22], s20  }
0x9f: {  	s4 =	ssub.s32 $0x0, s20;
	[sflag:s22] =	ssyncset.done $0x0  }
0xa0: {  	[sflag:s22] =	ssyncadd.s32 s4;
	_ =	sdelay $0x1  }
0xa1: {  	s23 =	simm.s32 $0x1B8B  }
0xa2: {  	_ =	swait.ge [sflag:s23], $0x1  }
0xa3: {  	[sflag:s23] =	ssyncset.done $0x0  }
0xa4: {  	s25 =	simm.s32 $0x1B8E;
	s24 =	sld [smem:$0x3FFE];
	[sflag:s23] =	ssyncadd.s32 $0xFFFFFFFF  }
0xa5: {  	s26 =	simm.s32 $execute0_lowered;
	[smem:$0x3FD2] =	sst s25  }
0xa6: {  	s5 =	sshll.u32 s26, $0x1;
	_ =	strace $0x80000046;
	[dreg:$0x1] =	wrdreg $0xFFFFFFFF  }
0xa7: {  	s28 =	simm.s32 $_size_execute0_lowered;
	s3 =	sadd.s32 s3, s5;
	[dreg:$0x0] =	wrdreg $0x0  }
0xa8: {  	s5 =	sshll.u32 s28, $0x1;
	[dreg:$0x2] =	wrdreg s3  }
0xa9: {  	[dreg:$0x3] =	wrdreg s5  }
0xaa: {  	[dreg:$0x4] =	wrdreg $0xC0  }
0xab: {  	_ =	task [dreg:s7], $0x5FFFF  }
0xac: {  	[dreg:$0x1] =	wrdreg $0xFFFFFFFF  }
0xad: {  	[dreg:$0x0] =	wrdreg $0x60  }
0xae: {  	[dreg:$0x2] =	wrdreg s24  }
0xaf: {  	[dreg:$0x3] =	wrdreg s2  }
0xb0: {  	[dreg:$0x4] =	wrdreg $0x9  }
0xb1: {  	_ =	task.clear_ibuf [dreg:s7], $0x5FFFF;
	_ =	strace $0x90000046  }
0xb2: {  	s29 =	simm.s32 $0x9;
	_ =	strace $0x80000048  }
0xb3: {  	_ =	swait.ge [sflag:s29], $0x1  }
0xb4: {  	[sflag:s29] =	ssyncadd.s32 $0xFFFFFFFF  }
0xb5: {  	_ =	strace $0x90000048  }
0xb6: {  	_ =	sfence  }
0xb7: {  	s30 =	sld [smem:$0x0];
	_ =	sdelay $0x2  }
0xb8: {  	s31 =	sshll.u32 s1, $0xD;
	s1 =	sshrl.u32 s1, $0x2  }
0xb9: {  	s3 =	sand.u32 $0x4000, s31;
	s1 =	sadd.s32 s1, s30  }
0xba: {  	s0 =	sor.u32 s3, s0;
	s1 =	sshll.u32 s1, $0x11  }
0xbb: {  	s0 =	sor.u32 s1, s0  }
0xbc: {  	s0 =	sadd.s32 $0x8F2B, s0  }
0xbd: {  	[sflag:s0] =	ssyncadd.remote.s32 $0x1  }
0xbe: {  	_ =	sfence.sel $0xFFFF  }
0xbf: {  	[dreg:$0x0] =	wrdreg $0xFFFFFFFF;
	(pc) =	sbr.abs _section_cstart, $3  }
0xc0: {  	[dreg:$0x1] =	wrdreg $0xFFFFFFFF  }
0xc1: {  	_ =	task.clear_ibuf [dreg:s7], $0x2FFFF;
	_ =	strace $0x9FFFFFFF  }
0xc2: {  	(tm) =	ssettm $0x7FFFFFFF  }
0xc3: {  	_ =	shalt  }
tec
execute0_lowered:
.L_overlay_start_1:
0x0: {  	(tag) =	ssettag $0x1  }
0x1: {  	s3 =	rddreg [dreg:$0x0]  }
0x2: {  	s1 =	rddreg [dreg:$0x1]  }
0x3: {  	s0 =	rddreg [dreg:$0x2];
	s2 =	simm.s32 $0x0;
	s4 =	srdreg.scid  }
0x4: {  	s10 =	simm.s32 $0x1;
	s11 =	simm.s32 $0x4000;
	s12 =	simm.s32 $0xC100  }
0x5: {  	s13 =	simm.s32 $0xC080;
	s14 =	simm.s32 $0x8000;
	s15 =	simm.s32 $0x0  }
0x6: {  	[smem:$0x7FF] =	sst s2;
	s7 =	sand.u32 $0x1, s4;
	s4 =	sadd.s32 $0x400, s3  }
0x7: {  	v0 =	vlaneseq.u32;
	s5 =	sadd.s32 $0x200400, s3;
	s6 =	sadd.s32 $0x400400, s3;
	s8 =	ssub.s32 $0x2, s7  }
0x8: {  	s3 =	stileid.u32;
	v2 =	vmul.u32 $0xFFFFFFFF, v0;
	_ =	strace $0x80000047;
	s9 =	sshrl.u32 s8, $0x1  }
0x9: {  	s31 =	sshll.u32 s3, $0x11;
	s7 =	sshll.u32 s7, $0x10;
	s8 =	ssub.s32 s8, s9  }
0xa: {  	v1 =	vimm.s32 $0x1;
	v0 =	vimm.s32 $0x0;
	s7 =	sor.u32 s7, s31;
	v2 =	vadd.s32 $0xF, v2;
	s9 =	simm.s32 $0xC000;
	s8 =	smax.u32 s8, $0x1  }
.LBB2_1:
0xb: {  	[tilespmem:s9], [sflag:$0x1] =	stream.linear.gather [hbm4b:s6+s2], $0x80, $0x38;
	[tilespmem:$0xC180] =	vst v63  }
0xc: {  	_ =	swait.ge [sflag:s10], $0x80  }
0xd: {  	[sflag:s10] =	ssyncset.done $0x0  }
0xe: {  	[sflag:s10] =	ssyncadd.s32 $0xFFFFFF80  }
0xf: {  	v3 =	vld [tilespmem:$0xC000]  }
0x10: {  	v4 =	vld [tilespmem:$0xC010]  }
0x11: {  	v5 =	vld [tilespmem:$0xC020]  }
0x12: {  	s16 =	simm.s32 $0x0;
	v6 =	vld [tilespmem:$0xC030]  }
.LBB2_2:
0x13: {  	s17 =	sshll.u32 s16, $0xB  }
0x14: {  	s17 =	sadd.s32 s7, s17  }
0x15: {  	s18 =	simm.s32 $0x0;
	s19 =	sadd.s32 s4, s17  }
0x16: {  	[tilespmem:s18], [sflag:$0x1] =	stream.linear.gather [hbm4b:s19+s18], $0x4000, $0x38;
	[tilespmem:$0xC180] =	vst v63  }
0x17: {  	_ =	swait.ge [sflag:s10], $0x4000  }
0x18: {  	[sflag:s10] =	ssyncset.done $0x0  }
0x19: {  	s31 =	sadd.s32 s5, s17;
	[sflag:s10] =	ssyncadd.s32 $0xFFFFC000  }
0x1a: {  	[tilespmem:s11], [sflag:$0x1] =	stream.linear.gather [hbm4b:s31+s18], $0x4000, $0x38;
	[tilespmem:$0xC180] =	vst v63  }
0x1b: {  	_ =	swait.ge [sflag:s10], $0x4000  }
0x1c: {  	s20 =	simm.s32 $0x4020;
	[sflag:s10] =	ssyncset.done $0x0  }
0x1d: {  	s21 =	simm.s32 $0x20;
	s19 =	simm.s32 $0x8040;
	[sflag:s10] =	ssyncadd.s32 $0xFFFFC000  }
.LBB2_3:
0x1e: {  	v7 =	vld [tilespmem:s20+$0xFFFFFFE0];
	_ =	sdelay $0x1  }
0x1f: {  	v8 =	vld [tilespmem:s20+$0xFFFFFFF0];
	_ =	sdelay $0x1  }
0x20: {  	v9 =	vld [tilespmem:s20+$0x0]  }
0x21: {  	v7 =	vadd.f32 $9.999999740e-06, v7  }
0x22: {  	v10 =	vld [tilespmem:s20+$0x10]  }
0x23: {  	v8 =	vadd.f32 $9.999999740e-06, v8;
	(xrf2) =	vadd.scan.msk.f32 $0xffff, v7;
	_ =	sdelay $0x1  }
0x24: {  	v9 =	vadd.f32 $9.999999740e-06, v9;
	(xrf2) =	vadd.scan.msk.f32 $0xffff, v8;
	_ =	sdelay $0x1  }
0x25: {  	v8 =	vadd.f32 $9.999999740e-06, v10;
	(xrf2) =	vadd.scan.msk.f32 $0xffff, v9;
	_ =	sdelay $0x1  }
0x26: {  	(xrf2) =	vadd.scan.msk.f32 $0xffff, v8;
	_ =	sdelay $0x3  }
0x27: {  	v35, _, _ =	vpop (xrf2)  }
0x28: {  	(v2sf) =	vpush v35, $0xF  }
0x29: {  	v36, _, _ =	vpop (xrf2)  }
0x2a: {  	(v2sf) =	vpush v36, $0xF  }
0x2b: {  	v11, _, _ =	vpop (xrf2)  }
0x2c: {  	(v2sf) =	vpush v11, $0xF  }
0x2d: {  	v12, _, _ =	vpop (xrf2)  }
0x2e: {  	(v2sf) =	vpush v12, $0xF  }
0x2f: {  	(v2sf) =	vpush v7, $0x0  }
0x30: {  	(v2sf) =	vpush v8, $0xF;
	_ =	sdelay $0x6  }
0x31: {  	s22 =	spop (v2sf)  }
0x32: {  	s22 =	sadd.f32 $0.0e+00, s22  }
0x33: {  	s23 =	spop (v2sf)  }
0x34: {  	s23 =	sadd.f32 s23, s22  }
0x35: {  	s24 =	spop (v2sf)  }
0x36: {  	s24 =	sadd.f32 s24, s23  }
0x37: {  	s25 =	spop (v2sf)  }
0x38: {  	s26 =	spop (v2sf);
	s25 =	sadd.f32 s25, s24  }
0x39: {  	s28 =	spop (v2sf)  }
0x3a: {  	s25 =	ssub.f32 s25, s28;
	_ =	sdelay $0x1  }
0x3b: {  	s25 =	ssub.f32 s25, s26;
	_ =	sdelay $0x1  }
0x3c: {  	v8 =	vmov s25  }
0x3d: {  	(erf) = vrcp.f32 v8;
	_ =	sdelay $0x5  }
0x3e: {  	v7 =	vbroadcast v7, $0x0;
	v8 =	vadd.f32 $0.0e+00, v35  }
0x3f: {  	v40 =	vadd.f32 s24, v12  }
0x40: {  	v37 =	vadd.f32 s22, v36;
	v8 =	vsub.f32 v8, v7  }
0x41: {  	v42 =	vsub.f32 v40, v7;
	v38 =	vpop (erf)  }
0x42: {  	v13 =	vmul.f32 v38, v8;
	v8 =	vsub.f32 v37, v7  }
0x43: {  	v39 =	vadd.f32 s23, v11;
	v17 =	vmul.f32 v38, v42  }
0x44: {  	v41 =	vmul.f32 $6.300000000e+01, v13;
	v14 =	vmul.f32 v38, v8  }
0x45: {  	v8 =	vsub.f32 v39, v7;
	v19 =	vmul.f32 $6.300000000e+01, v17  }
0x46: {  	v7 =	vtrunc.f32 v41;
	v44 =	vmul.f32 $6.300000000e+01, v14  }
0x47: {  	v15 =	vmul.f32 v38, v8;
	v51 =	vtrunc.f32 v19  }
0x48: {  	v10 =	vld [tilespmem:s21+$0x10];
	v43 =	vcvt.f32.s32 v7;
	vm0 =	vgt.f32 v41, v7;
	v53 =	vcvt.f32.s32 v51  }
0x49: {  	v9 =	vld [tilespmem:s21+$0x0];
	vm4 =	vgt.f32 v19, v51;
	v16 =	vsel vm0, $0x1, v0;
	v47 =	vmul.f32 $6.300000000e+01, v15  }
0x4a: {  	v8 =	vld [tilespmem:s21+$0xFFFFFFF0];
	v45 =	vtrunc.f32 v44;
	v12 =	vsel vm4, $0x1, v0;
	v11 =	vadd.s32 v43, v16  }
0x4b: {  	v7 =	vld [tilespmem:s21+$0xFFFFFFE0];
	[tilespmem:$0xC080] =	vst v13;
	v46 =	vcvt.f32.s32 v45;
	vm13 =	vgt.f32 v44, v45;
	v49 =	vtrunc.f32 v47  }
0x4c: {  	[tilespmem:$0xC100] =	vst v0;
	v18 =	vsel vm13, $0x1, v0;
	v50 =	vcvt.f32.s32 v49;
	vm15 =	vgt.f32 v47, v49  }
0x4d: {  	[tilespmem:$0xC090] =	vst v14;
	vm14 =	vlt.s32 v11, $0x3F;
	v48 =	vadd.s32 v46, v18;
	v52 =	vsel vm15, $0x1, v0  }
0x4e: {  	[tilespmem:$0xC110] =	vst v0;
	v11 =	vnsel vm14, $0x3F, v11;
	vm5 =	vlt.s32 v48, $0x3F;
	v14 =	vadd.s32 v50, v52  }
0x4f: {  	[tilespmem:$0xC120] =	vst v0;
	v12 =	vadd.s32 v53, v12;
	v13 =	vnsel vm5, $0x3F, v48;
	vm6 =	vlt.s32 v14, $0x3F  }
0x50: {  	[tilespmem:$0xC0B0] =	vst v17;
	vm7 =	vlt.s32 v12, $0x3F;
	v14 =	vnsel vm6, $0x3F, v14  }
0x51: {  	[tilespmem:$0xC130] =	vst v0;
	v12 =	vnsel vm7, $0x3F, v12  }
0x52: {  	[tilespmem:$0xC0A0] =	vst v15  }
0x53: {  	[tilespmem:v11+s12+$0x0] =	vst.idx.add.s32.msk $0xffff, v1  }
0x54: {  	[tilespmem:v13+s12+$0x0] =	vst.idx.add.s32.msk $0xffff, v1  }
0x55: {  	[tilespmem:v14+s12+$0x0] =	vst.idx.add.s32.msk $0xffff, v1  }
0x56: {  	[tilespmem:v12+s12+$0x0] =	vst.idx.add.s32.msk $0x7fff, v1  }
0x57: {  	v11 =	vld [tilespmem:$0xC100]  }
0x58: {  	v12 =	vld [tilespmem:$0xC110]  }
0x59: {  	v13 =	vld [tilespmem:$0xC120];
	_ =	sdelay $0x2  }
0x5a: {  	(xrf0) =	vadd.scan.msk.s32 $0xffff, v11  }
0x5b: {  	(xrf0) =	vadd.scan.msk.s32 $0xffff, v12  }
0x5c: {  	(xrf0) =	vadd.scan.msk.s32 $0xffff, v13;
	_ =	sdelay $0x3  }
0x5d: {  	v11, _, _ =	vpop (xrf0)  }
0x5e: {  	v14 =	vld [tilespmem:$0xC130];
	v12, _, _ =	vpop (xrf0);
	(v2sf) =	vpush v11, $0xF;
	v54 =	vadd.s32 $0xFFFFFFFF, v11;
	vm8 =	vlt.s32 v11, $0x3E  }
0x5f: {  	v56 =	vbroadcast v11, $0xF;
	(v2sf) =	vpush v12, $0xF;
	v13, _, _ =	vpop (xrf0);
	v55 =	vnsel vm8, $0x3E, v11  }
0x60: {  	(v2sf) =	vpush v13, $0xF  }
0x61: {  	v12 =	vadd.s32 v56, v12  }
0x62: {  	v60 =	vand.u32 $0xFFFFFF80, v11;
	v20 =	vadd.s32 $0xFFFFFFFF, v12;
	vm9 =	vlt.s32 v12, $0x3E  }
0x63: {  	s31 =	sshll.u32 s18, $0x7;
	(xrf0) =	vadd.scan.msk.s32 $0xffff, v14;
	v59 =	vand.u32 $0xFFFFFF80, v54;
	v14 =	vand.u32 $0x7F, v54;
	v22 =	vnsel vm9, $0x3E, v12;
	v17 =	vld.idx.msk [tilespmem:v54+s13+$0x0], $0xffff  }
0x64: {  	v11 =	vand.u32 $0x7F, v11;
	v21 =	vand.u32 $0xFFFFFF80, v55;
	v19 =	vadd.s32 s31, v59;
	v58 =	vld.idx.msk [tilespmem:v55+s13+$0x0], $0xffff  }
0x65: {  	v23 =	vand.u32 $0x7F, v55;
	v15 =	vadd.s32 $0x1, v55;
	v14 =	vor.u32 v14, v19  }
0x66: {  	v19 =	vadd.s32 s31, v60;
	v61 =	vadd.s32 s31, v21;
	v62 =	vand.u32 $0xFFFFFF80, v15  }
0x67: {  	v15 =	vand.u32 $0x7F, v15;
	v31 =	vand.u32 $0xFFFFFF80, v12;
	v11 =	vor.u32 v11, v19;
	v63 =	vld.idx.msk [tilespmem:v20+s13+$0x0], $0xffff  }
0x68: {  	v19 =	vor.u32 v23, v61;
	v21 =	vadd.s32 s31, v62;
	v29 =	vand.u32 $0xFFFFFF80, v20;
	v24 =	vld.idx.msk [tilespmem:v22+s13+$0x0], $0xffff  }
0x69: {  	v12 =	vand.u32 $0x7F, v12;
	v30 =	vand.u32 $0xFFFFFF80, v22;
	v18 =	vsub.f32 v58, v17  }
0x6a: {  	v15 =	vor.u32 v15, v21;
	v25 =	vand.u32 $0x7F, v22;
	v21 =	vadd.s32 s31, v30  }
0x6b: {  	v21 =	vor.u32 v25, v21;
	v22 =	vadd.s32 $0x1, v22;
	vm10 =	vlt.f32 v18, $9.999999740e-06  }
0x6c: {  	v20 =	vand.u32 $0x7F, v20;
	v32 =	vand.u32 $0xFFFFFF80, v22;
	v18 =	vsel vm10, $0x3F800000, v18  }
0x6d: {  	v24 =	vsub.f32 v24, v63;
	s28 =	spop (v2sf);
	(erf) = vrcp.f32 v18;
	v18 =	vadd.s32 s31, v29  }
0x6e: {  	v22 =	vand.u32 $0x7F, v22;
	s29 =	spop (v2sf);
	v18 =	vor.u32 v20, v18;
	v20 =	vadd.s32 s31, v31  }
0x6f: {  	vm11 =	vlt.f32 v24, $9.999999740e-06;
	s22 =	sadd.s32 s28, s29;
	s30 =	spop (v2sf);
	v12 =	vor.u32 v12, v20;
	v20 =	vadd.s32 s31, v32  }
0x70: {  	v57, _, _ =	vpop (xrf0);
	v33 =	vsel vm11, $0x3F800000, v24;
	s23 =	sadd.s32 s30, s22;
	v13 =	vadd.s32 s22, v13;
	v20 =	vor.u32 v22, v20  }
0x71: {  	v14 =	vld.idx.msk [tilespmem:v14+s2+$0x0], $0xffff;
	(erf) = vrcp.f32 v33;
	v16 =	vadd.s32 s23, v57;
	vm12 =	vlt.s32 v13, $0x3E  }
0x72: {  	v11 =	vld.idx.msk [tilespmem:v11+s2+$0x0], $0xffff;
	v34 =	vadd.s32 $0xFFFFFFFF, v13;
	v37 =	vand.u32 $0xFFFFFF80, v13;
	v35 =	vnsel vm12, $0x3E, v13  }
0x73: {  	v19 =	vld.idx.msk [tilespmem:v19+s2+$0x0], $0xffff;
	v36 =	vand.u32 $0xFFFFFF80, v34;
	v26 =	vand.u32 $0x7F, v34;
	v29 =	vadd.s32 $0xFFFFFFFF, v16  }
0x74: {  	v15 =	vld.idx.msk [tilespmem:v15+s2+$0x0], $0xffff;
	vm13 =	vlt.s32 v16, $0x3E;
	v13 =	vand.u32 $0x7F, v13;
	v43 =	vand.u32 $0xFFFFFF80, v16  }
0x75: {  	v21 =	vld.idx.msk [tilespmem:v21+s2+$0x0], $0xffff;
	v27 =	vand.u32 $0xFFFFFF80, v35;
	v28 =	vand.u32 $0x7F, v35;
	v30 =	vnsel vm13, $0x3E, v16  }
0x76: {  	v25 =	vadd.s32 s31, v36;
	v18 =	vld.idx.msk [tilespmem:v18+s2+$0x0], $0xffff;
	v31 =	vadd.s32 $0x1, v35;
	v41 =	vand.u32 $0xFFFFFF80, v29  }
0x77: {  	v42 =	vand.u32 $0x7F, v29;
	v16 =	vand.u32 $0x7F, v16;
	v25 =	vor.u32 v26, v25;
	v24 =	vld.idx.msk [tilespmem:v34+s13+$0x0], $0xffff  }
0x78: {  	v26 =	vadd.s32 s31, v37;
	v38 =	vadd.s32 s31, v27;
	v39 =	vand.u32 $0xFFFFFF80, v31;
	v22 =	vld.idx.msk [tilespmem:v35+s13+$0x0], $0xffff  }
0x79: {  	v40 =	vand.u32 $0x7F, v31;
	v32 =	vand.u32 $0xFFFFFF80, v30;
	v13 =	vor.u32 v13, v26;
	v29 =	vld.idx.msk [tilespmem:v29+s13+$0x0], $0xffff  }
0x7a: {  	v33 =	vand.u32 $0x7F, v30;
	v31 =	vadd.s32 s31, v43;
	v26 =	vor.u32 v28, v38;
	v34 =	vld.idx.msk [tilespmem:v30+s13+$0x0], $0xffff  }
0x7b: {  	v12 =	vld.idx.msk [tilespmem:v12+s2+$0x0], $0xffff;
	v27 =	vadd.s32 s31, v39;
	v28 =	vadd.s32 s31, v41;
	v16 =	vor.u32 v16, v31  }
0x7c: {  	v20 =	vld.idx.msk [tilespmem:v20+s2+$0x0], $0xffff;
	v32 =	vadd.s32 s31, v32;
	v27 =	vor.u32 v40, v27;
	v30 =	vadd.s32 $0x1, v30  }
0x7d: {  	v28 =	vor.u32 v42, v28;
	v44 =	vor.u32 v33, v32;
	v25 =	vld.idx.msk [tilespmem:v25+s2+$0x0], $0xffff;
	v45 =	vand.u32 $0xFFFFFF80, v30  }
0x7e: {  	v30 =	vand.u32 $0x7F, v30;
	v13 =	vld.idx.msk [tilespmem:v13+s2+$0x0], $0xffff;
	v32 =	vadd.s32 s31, v45;
	v22 =	vsub.f32 v22, v24  }
0x7f: {  	v11 =	vadd.f32 v11, v14;
	v26 =	vld.idx.msk [tilespmem:v26+s2+$0x0], $0xffff;
	v30 =	vor.u32 v30, v32;
	v46 =	vsub.f32 v34, v29  }
0x80: {  	v53 =	vsub.f32 v3, v17;
	v15 =	vadd.f32 v15, v19;
	v16 =	vld.idx.msk [tilespmem:v16+s2+$0x0], $0xffff;
	vm14 =	vlt.f32 v22, $9.999999740e-06  }
0x81: {  	v11 =	vmul.f32 $5.000000000e-01, v11;
	v27 =	vld.idx.msk [tilespmem:v27+s2+$0x0], $0xffff;
	v47 =	vsel vm14, $0x3F800000, v22;
	vm15 =	vlt.f32 v46, $9.999999740e-06  }
0x82: {  	v52 =	vmul.f32 $5.000000000e-01, v15;
	v48 =	vld.idx.msk [tilespmem:v28+s2+$0x0], $0xffff;
	(erf) = vrcp.f32 v47;
	v49 =	vsel vm15, $0x3F800000, v46  }
0x83: {  	v55 =	vpop (erf);
	v51 =	vld.idx.msk [tilespmem:v44+s2+$0x0], $0xffff;
	(erf) = vrcp.f32 v49  }
0x84: {  	v14 =	vsub.f32 v52, v11;
	v15 =	vmul.f32 v55, v53;
	v54 =	vld.idx.msk [tilespmem:v30+s2+$0x0], $0xffff  }
0x85: {  	v56 =	vsub.f32 v4, v63  }
0x86: {  	v12 =	vadd.f32 v12, v18;
	v57 =	vpop (erf);
	v14 =	vmul.f32 v14, v15  }
0x87: {  	v50 =	vadd.f32 v20, v21;
	v58 =	vmul.f32 v57, v56;
	v60 =	vsub.f32 v5, v24  }
0x88: {  	v12 =	vmul.f32 $5.000000000e-01, v12;
	v13 =	vadd.f32 v13, v25;
	v59 =	vadd.f32 v27, v26  }
0x89: {  	v18 =	vmul.f32 $5.000000000e-01, v50;
	v16 =	vadd.f32 v16, v48;
	v17 =	vadd.f32 v54, v51  }
0x8a: {  	v62 =	vsub.f32 v6, v29;
	v13 =	vmul.f32 $5.000000000e-01, v13;
	v15 =	vmul.f32 $5.000000000e-01, v59  }
0x8b: {  	(xrf1) =	vsort.ascd.msk.f32 $0xffff, v7, v7;
	v18 =	vsub.f32 v18, v12;
	v16 =	vmul.f32 $5.000000000e-01, v16;
	v17 =	vmul.f32 $5.000000000e-01, v17;
	v61 =	vpop (erf)  }
0x8c: {  	(xrf1) =	vsort.ascd.msk.f32 $0xffff, v8, v8;
	v15 =	vsub.f32 v15, v13;
	v19 =	vmul.f32 v61, v60;
	v63 =	vpop (erf)  }
0x8d: {  	v18 =	vmul.f32 v18, v58;
	v17 =	vsub.f32 v17, v16;
	v7 =	vmul.f32 v63, v62  }
0x8e: {  	(xrf1) =	vsort.ascd.msk.f32 $0xffff, v9, v9;
	v8 =	vadd.f32 v14, v11;
	v15 =	vmul.f32 v15, v19  }
0x8f: {  	(xrf1) =	vsort.ascd.msk.f32 $0xffff, v10, v10;
	v18 =	vadd.f32 v18, v12;
	v7 =	vmul.f32 v17, v7  }
0x90: {  	(xrf1) =	vsort.ascd.msk.f32 $0xffff, v8, v8;
	v19 =	vadd.f32 v15, v13  }
0x91: {  	(xrf1) =	vsort.ascd.msk.f32 $0xffff, v18, v18;
	v7 =	vadd.f32 v7, v16  }
0x92: {  	(xrf1) =	vsort.ascd.msk.f32 $0xffff, v19, v19  }
0x93: {  	(xrf1) =	vsort.ascd.msk.f32 $0xffff, v7, v7;
	_ =	sdelay $0x6  }
0x94: {  	v7, _, _ =	vpop (xrf1)  }
0x95: {  	v8, _, _ =	vpop (xrf1)  }
0x96: {  	v20, _, _ =	vpop (xrf1);
	v8 =	vperm.xlane v8, v2  }
0x97: {  	v21, _, _ =	vpop (xrf1)  }
0x98: {  	v22, _, _ =	vpop (xrf1);
	v23 =	vmin.f32 v7, v8;
	v10 =	vperm.xlane v21, v2  }
0x99: {  	v7 =	vmax.f32 v7, v8;
	v24, _, _ =	vpop (xrf1);
	(xrf1) =	vsort.ascd.msk.f32 $0xffff, v23, v23  }
0x9a: {  	(xrf1) =	vsort.ascd.msk.f32 $0xffff, v7, v7;
	v7 =	vmin.f32 v20, v10;
	v25 =	vperm.xlane v24, v2;
	v8, _, _ =	vpop (xrf1)  }
0x9b: {  	v9 =	vmax.f32 v20, v10;
	(xrf1) =	vsort.ascd.msk.f32 $0xffff, v7, v7;
	v26, _, _ =	vpop (xrf1)  }
0x9c: {  	(xrf1) =	vsort.ascd.msk.f32 $0xffff, v9, v9;
	v7 =	vmin.f32 v22, v25;
	v27 =	vperm.xlane v26, v2  }
0x9d: {  	v28 =	vmax.f32 v22, v25;
	(xrf1) =	vsort.ascd.msk.f32 $0xffff, v7, v7  }
0x9e: {  	(xrf1) =	vsort.ascd.msk.f32 $0xffff, v28, v28;
	v7 =	vmin.f32 v8, v27  }
0x9f: {  	v8 =	vmax.f32 v8, v27;
	(xrf1) =	vsort.ascd.msk.f32 $0xffff, v7, v7  }
0xa0: {  	(xrf1) =	vsort.ascd.msk.f32 $0xffff, v8, v8;
	_ =	sdelay $0x6  }
0xa1: {  	v7, _, _ =	vpop (xrf1)  }
0xa2: {  	v8, _, _ =	vpop (xrf1)  }
0xa3: {  	v29, _, _ =	vpop (xrf1)  }
0xa4: {  	v30, _, _ =	vpop (xrf1)  }
0xa5: {  	v9 =	vperm.xlane v29, v2;
	v31, _, _ =	vpop (xrf1);
	v10 =	vperm.xlane v30, v2  }
0xa6: {  	v32, _, _ =	vpop (xrf1)  }
0xa7: {  	v35 =	vmin.f32 v8, v9;
	v8 =	vmax.f32 v8, v9;
	v34 =	vmin.f32 v7, v10;
	v33, _, _ =	vpop (xrf1)  }
0xa8: {  	v7 =	vmax.f32 v7, v10;
	v37 =	vmin.f32 v34, v35;
	v14 =	vmax.f32 v34, v35;
	v36, _, _ =	vpop (xrf1)  }
0xa9: {  	(xrf1) =	vsort.ascd.msk.f32 $0xffff, v37, v37;
	v39 =	vperm.xlane v33, v2;
	v38 =	vperm.xlane v36, v2  }
0xaa: {  	v40 =	vmin.f32 v7, v8;
	v7 =	vmax.f32 v7, v8;
	(xrf1) =	vsort.ascd.msk.f32 $0xffff, v14, v14  }
0xab: {  	(xrf1) =	vsort.ascd.msk.f32 $0xffff, v40, v40;
	v41 =	vmin.f32 v32, v39;
	v8 =	vmin.f32 v31, v38  }
0xac: {  	(xrf1) =	vsort.ascd.msk.f32 $0xffff, v7, v7;
	v10 =	vmax.f32 v32, v39;
	v42 =	vmin.f32 v8, v41  }
0xad: {  	v7 =	vmax.f32 v31, v38;
	v8 =	vmax.f32 v8, v41;
	(xrf1) =	vsort.ascd.msk.f32 $0xffff, v42, v42  }
0xae: {  	(xrf1) =	vsort.ascd.msk.f32 $0xffff, v8, v8;
	v8 =	vmin.f32 v7, v10  }
0xaf: {  	v7 =	vmax.f32 v7, v10;
	(xrf1) =	vsort.ascd.msk.f32 $0xffff, v8, v8  }
0xb0: {  	(xrf1) =	vsort.ascd.msk.f32 $0xffff, v7, v7;
	_ =	sdelay $0x6  }
0xb1: {  	v7, _, _ =	vpop (xrf1)  }
0xb2: {  	v8, _, _ =	vpop (xrf1)  }
0xb3: {  	v43, _, _ =	vpop (xrf1)  }
0xb4: {  	v44, _, _ =	vpop (xrf1)  }
0xb5: {  	v45, _, _ =	vpop (xrf1)  }
0xb6: {  	v46, _, _ =	vpop (xrf1)  }
0xb7: {  	v47, _, _ =	vpop (xrf1)  }
0xb8: {  	v11 =	vperm.xlane v45, v2;
	v12 =	vperm.xlane v46, v2;
	v48, _, _ =	vpop (xrf1)  }
0xb9: {  	v13 =	vperm.xlane v47, v2;
	v14 =	vperm.xlane v48, v2  }
0xba: {  	v52 =	vmin.f32 v44, v11;
	v10 =	vmax.f32 v44, v11;
	v51 =	vmin.f32 v43, v12  }
0xbb: {  	v9 =	vmax.f32 v43, v12;
	v50 =	vmin.f32 v8, v13;
	v49 =	vmin.f32 v7, v14  }
0xbc: {  	v8 =	vmax.f32 v8, v13;
	v54 =	vmin.f32 v50, v52;
	v53 =	vmin.f32 v49, v51  }
0xbd: {  	v7 =	vmax.f32 v7, v14;
	v57 =	vmax.f32 v50, v52;
	v56 =	vmin.f32 v53, v54  }
0xbe: {  	v55 =	vmax.f32 v49, v51;
	v12 =	vmax.f32 v53, v54;
	(xrf1) =	vsort.ascd.msk.f32 $0xffff, v56, v56  }
0xbf: {  	v60 =	vmin.f32 v8, v10;
	v58 =	vmin.f32 v55, v57;
	(xrf1) =	vsort.ascd.msk.f32 $0xffff, v12, v12  }
0xc0: {  	v59 =	vmin.f32 v7, v9;
	v11 =	vmax.f32 v55, v57;
	(xrf1) =	vsort.ascd.msk.f32 $0xffff, v58, v58  }
0xc1: {  	v8 =	vmax.f32 v8, v10;
	v61 =	vmin.f32 v59, v60;
	(xrf1) =	vsort.ascd.msk.f32 $0xffff, v11, v11  }
0xc2: {  	v7 =	vmax.f32 v7, v9;
	v62 =	vmax.f32 v59, v60;
	(xrf1) =	vsort.ascd.msk.f32 $0xffff, v61, v61  }
0xc3: {  	v63 =	vmin.f32 v7, v8;
	(xrf1) =	vsort.ascd.msk.f32 $0xffff, v62, v62  }
0xc4: {  	v7 =	vmax.f32 v7, v8;
	(xrf1) =	vsort.ascd.msk.f32 $0xffff, v63, v63  }
0xc5: {  	(xrf1) =	vsort.ascd.msk.f32 $0xffff, v7, v7;
	_ =	sdelay $0x6  }
0xc6: {  	v7, _, _ =	vpop (xrf1)  }
0xc7: {  	v8, _, _ =	vpop (xrf1);
	[tilespmem:s19+$0xFFFFFFC0] =	vst v7  }
0xc8: {  	v7, _, _ =	vpop (xrf1);
	[tilespmem:s19+$0xFFFFFFD0] =	vst v8  }
0xc9: {  	p0 =	sne.s32 s18, $0x7F;
	v8, _, _ =	vpop (xrf1);
	[tilespmem:s19+$0xFFFFFFE0] =	vst v7  }
.Ltmp0:
0xca: {  	v7, _, _ =	vpop (xrf1);
	[tilespmem:s19+$0xFFFFFFF0] =	vst v8;
	(pc) =	sbr.rel @p0 .LBB2_3-.Ltmp0, $4  }
0xcb: {  	v8, _, _ =	vpop (xrf1);
	[tilespmem:s19+$0x0] =	vst v7  }
0xcc: {  	v7, _, _ =	vpop (xrf1);
	[tilespmem:s19+$0x10] =	vst v8  }
0xcd: {  	s20 =	sadd.s32 $0x80, s20;
	v8, _, _ =	vpop (xrf1);
	[tilespmem:s19+$0x20] =	vst v7  }
0xce: {  	s18 =	sadd.s32 $0x1, s18;
	s21 =	sadd.s32 $0x80, s21;
	[tilespmem:s19+$0x30] =	vst v8;
	s19 =	sadd.s32 $0x80, s19  }
0xcf: {  	s16 =	sadd.s32 $0x1, s16  }
0xd0: {  	p0 =	sne.s32 s16, $0x20  }
.Ltmp1:
0xd1: {  	s17 =	sadd.s32 s1, s17;
	(pc) =	sbr.rel @p0 .LBB2_2-.Ltmp1, $4  }
0xd2: {  	[hbm4b:s17+s2] =	stream.linear.scatter [tilespmem:s14], [sflag:$0x1], $0x4000, $0x38;
	[tilespmem:$0xC180] =	vst v63  }
0xd3: {  	_ =	swait.ge [sflag:s10], $0x4000  }
0xd4: {  	[sflag:s10] =	ssyncset.done $0x0  }
0xd5: {  	[sflag:s10] =	ssyncadd.s32 $0xFFFFC000  }
0xd6: {  	s15 =	sadd.s32 $0x1, s15  }
0xd7: {  	p0 =	sne.s32 s15, s8  }
.Ltmp2:
0xd8: {  	_ = 	snop;
	(pc) =	sbr.rel @p0 .LBB2_1-.Ltmp2, $1  }
0xd9: {  	_ =	sdelay $0x3  }
0xda: {  	_ =	sfence.sel $0x180000  }
0xdb: {  	[bflag:$0x0] =	sbarrier.arrive $0xFFFF  }
0xdc: {  	p0 =	sne.s32 s3, $0x0;
	_ =	strace $0x90000047  }
0xdd: {  	s0 =	sadd.s32 @!p0 $0x100000, s0;
	[bflag:$0x2] =	sbarrier.arrive $0xFFFF  }
0xde: {  	[sflag:s0] =	ssyncadd.tile.s32 @!p0 $0x1;
	_ =	shalt  }
.Lfunc_end2:
_tile_overlayer_lowered:
.L_overlay_start_2:
0xdf: {  	(tag) =	ssettag $0x2  }
0xe0: {  	s0 =	rddreg [dreg:$0x0];
	s2 =	stileid.u32  }
0xe1: {  	s1 =	rddreg [dreg:$0x1];
	p0 =	sne.s32 s2, $0x0  }
0xe2: {  	s3 =	rddreg [dreg:$0x2];
	[bflag:$0x3] =	sbarrier.arrive $0xFFFF;
	s2 =	simm.s32 @!p0 $0x1C01  }
0xe3: {  	[timem:s3], [sflag:s2] =	dma.local @!p0 [hbm:s0], s1  }
0xe4: {  	s0 =	simm.s32 @!p0 $0x1  }
0xe5: {  	_ =	swait.ge @!p0 [sflag:s0], s1  }
0xe6: {  	s1 =	ssub.s32 @!p0 $0x0, s1;
	[sflag:s0] =	ssyncset.done @!p0 $0x0  }
0xe7: {  	[sflag:s0] =	ssyncadd.s32 @!p0 s1  }
0xe8: {  	[bflag:$0x3] =	sbarrier.arrive $0xFFFF  }
0xe9: {  	_ =	shalt  }

</sc_bundles>
